<compile_context>
chip_gen: v7x
topology: tpu7x:2x2x1
jax: 0.10.2.dev20260603
libtpu: 0.0.44.dev20260713+nightly
codegen_flags: <defaults>
</compile_context>

<pallas_src>
import functools

import jax
import jax.numpy as jnp
from jax import lax
from jax.experimental import pallas as pl
from jax.experimental.pallas import tpu as pltpu
from jax.experimental.pallas import tpu_sc as plsc

N = 10000
E = 320000
D = 128
NC = 2
NS = 16
NW = NC * NS
CK = 128
CH = 80
EPW = CH * CK
EPAD = NW * EPW
NPAD = 10240
SA = NPAD // NS

_mesh = plsc.VectorSubcoreMesh(core_axis_name="c", subcore_axis_name="s")


@functools.partial(
    pl.kernel,
    out_type=jax.ShapeDtypeStruct((NC, NPAD), jnp.float32),
    mesh=_mesh,
    scratch_types=[
        pltpu.VMEM((CH, CK), jnp.int32),
        pltpu.VMEM((CK,), jnp.float32),
        pltpu.VMEM((SA,), jnp.float32),
        pltpu.VMEM_SHARED((NPAD,), jnp.float32),
        pltpu.SemaphoreType.DMA,
    ],
)
def _sc_degree(col3d, dp_out, colv, onesv, zv, deg_sh, sem):
    c = lax.axis_index("c")
    s = lax.axis_index("s")
    w = s * NC + c

    for i in range(CK // 16):
        onesv[pl.ds(i * 16, 16)] = jnp.ones((16,), jnp.float32)
    for i in range(SA // 16):
        zv[pl.ds(i * 16, 16)] = jnp.zeros((16,), jnp.float32)
    pltpu.sync_copy(zv, deg_sh.at[pl.ds(s * SA, SA)])
    pltpu.sync_copy(col3d.at[w], colv)
    plsc.subcore_barrier()

    G = 8

    def group(i, _):
        for t in range(G):
            pltpu.async_copy(onesv, deg_sh.at[colv.at[i * G + t]], sem, add=True)
        for t in range(G):
            pltpu.make_async_copy(onesv, deg_sh.at[colv.at[i * G + t]], sem).wait()
        return 0

    lax.fori_loop(0, CH // G, group, 0)
    plsc.subcore_barrier()
    pltpu.sync_copy(deg_sh.at[pl.ds(s * SA, SA)], dp_out.at[c, pl.ds(s * SA, SA)])


@functools.partial(
    pl.kernel,
    out_type=jax.ShapeDtypeStruct((NC, NPAD, D), jnp.float32),
    mesh=_mesh,
    scratch_types=[
        pltpu.VMEM((CH // 2, CK), jnp.int32),
        pltpu.VMEM((CH // 2, CK), jnp.int32),
        pltpu.VMEM((CK, D), jnp.float32),
        pltpu.VMEM((CK, D), jnp.float32),
        pltpu.VMEM_SHARED((NPAD, D), jnp.float32),
        pltpu.SemaphoreType.DMA,
        pltpu.SemaphoreType.DMA,
        pltpu.SemaphoreType.DMA,
        pltpu.SemaphoreType.DMA,
    ],
)
def _sc_scatter(row3d, col3d, xs_hbm, zc, acc_out, rowv, colv, r0, r1, acc_sh,
                g0, g1, sc0, sc1):
    c = lax.axis_index("c")
    s = lax.axis_index("s")
    w = s * NC + c
    HC = CH // 2
    pltpu.sync_copy(row3d.at[w, pl.ds(0, HC)], rowv)
    pltpu.sync_copy(col3d.at[w, pl.ds(0, HC)], colv)
    pltpu.async_copy(xs_hbm.at[rowv.at[0]], r0, g0)
    pltpu.sync_copy(zc, acc_sh.at[pl.ds(s * SA, SA)])
    plsc.subcore_barrier()

    def body(i, _):
        a = 2 * i
        b = a + 1
        pltpu.make_async_copy(xs_hbm.at[rowv.at[a]], r0, g0).wait()

        @pl.when(i > 0)
        def _():
            pltpu.make_async_copy(r1, acc_sh.at[colv.at[b - 2]], sc1).wait()

        pltpu.async_copy(xs_hbm.at[rowv.at[b]], r1, g1)
        pltpu.async_copy(r0, acc_sh.at[colv.at[a]], sc0, add=True)
        pltpu.make_async_copy(xs_hbm.at[rowv.at[b]], r1, g1).wait()
        pltpu.make_async_copy(r0, acc_sh.at[colv.at[a]], sc0).wait()
        na = jnp.minimum(a + 2, HC - 1)
        pltpu.async_copy(xs_hbm.at[rowv.at[na]], r0, g0)
        pltpu.async_copy(r1, acc_sh.at[colv.at[b]], sc1, add=True)
        return 0

    for p in range(2):
        if p > 0:
            pltpu.sync_copy(row3d.at[w, pl.ds(p * HC, HC)], rowv)
            pltpu.sync_copy(col3d.at[w, pl.ds(p * HC, HC)], colv)
            pltpu.async_copy(xs_hbm.at[rowv.at[0]], r0, g0)
        lax.fori_loop(0, HC // 2, body, 0)
        pltpu.make_async_copy(r1, acc_sh.at[colv.at[HC - 1]], sc1).wait()
        pltpu.make_async_copy(xs_hbm.at[rowv.at[HC - 1]], r0, g0).wait()
    plsc.subcore_barrier()
    pltpu.sync_copy(acc_sh.at[pl.ds(s * SA, SA)], acc_out.at[c, pl.ds(s * SA, SA)])


_BN = 1000
_NB = N // _BN
_FB = 1024
_NF = NPAD // _FB
_F8 = _FB // D


def _dis_bcast(dp_ref, msk_ref):
    disf = lax.rsqrt(dp_ref[0] + dp_ref[1] + 1.0)
    u = jnp.broadcast_to(disf[:, None, :], (_F8, D, D)).reshape(_FB, D)
    t = u * msk_ref[...]
    th = t.astype(jnp.bfloat16).astype(jnp.float32)
    tl = t - th
    ones = jnp.ones((D, D), jnp.float32)
    return (jnp.dot(th, ones, preferred_element_type=jnp.float32)
            + jnp.dot(tl, ones, preferred_element_type=jnp.float32))


def _tc_scale_body(x_ref, w_ref, dp_ref, msk_ref, xs_ref):
    xw = jnp.dot(x_ref[...], w_ref[...], preferred_element_type=jnp.float32)
    xs_ref[...] = xw * _dis_bcast(dp_ref, msk_ref)


def _tc_scale(x, w, dpf, msk):
    return pl.pallas_call(
        _tc_scale_body,
        grid=(_NF,),
        in_specs=[
            pl.BlockSpec((_FB, D), lambda i: (i, 0)),
            pl.BlockSpec((D, D), lambda i: (0, 0)),
            pl.BlockSpec((2, _F8, D), lambda i: (0, i, 0)),
            pl.BlockSpec((_FB, D), lambda i: (0, 0)),
        ],
        out_specs=pl.BlockSpec((_FB, D), lambda i: (i, 0)),
        out_shape=jax.ShapeDtypeStruct((N, D), jnp.float32),
    )(x, w, dpf, msk)


def _tc_combine_body(a0_ref, a1_ref, xs_ref, dp_ref, msk_ref, b_ref, op_ref, st_ref):
    i = pl.program_id(0)
    total = a0_ref[0] + a1_ref[0] + xs_ref[...]
    op = _dis_bcast(dp_ref, msk_ref) * total + b_ref[...]
    op_ref[...] = op

    @pl.when(i == 0)
    def _():
        st_ref[...] = jnp.zeros_like(st_ref)

    valid = (lax.broadcasted_iota(jnp.int32, (_FB, 1), 0) + i * _FB) < N
    opm = jnp.where(valid, op, 0.0)
    st_ref[0:1, :] += jnp.sum(opm, axis=0, keepdims=True)
    st_ref[1:2, :] += jnp.sum(opm * opm, axis=0, keepdims=True)


def _tc_combine(acc, xs, dpf, msk, b2):
    return pl.pallas_call(
        _tc_combine_body,
        grid=(_NF,),
        in_specs=[
            pl.BlockSpec((1, _FB, D), lambda i: (0, i, 0)),
            pl.BlockSpec((1, _FB, D), lambda i: (1, i, 0)),
            pl.BlockSpec((_FB, D), lambda i: (i, 0)),
            pl.BlockSpec((2, _F8, D), lambda i: (0, i, 0)),
            pl.BlockSpec((_FB, D), lambda i: (0, 0)),
            pl.BlockSpec((1, D), lambda i: (0, 0)),
        ],
        out_specs=[
            pl.BlockSpec((_FB, D), lambda i: (i, 0)),
            pl.BlockSpec((8, D), lambda i: (0, 0)),
        ],
        out_shape=[
            jax.ShapeDtypeStruct((N, D), jnp.float32),
            jax.ShapeDtypeStruct((8, D), jnp.float32),
        ],
    )(acc, acc, xs, dpf, msk, b2)


def _tc_bn_body(op_ref, st_ref, g_ref, be_ref, o_ref):
    mean = st_ref[0:1, :] * (1.0 / N)
    var = st_ref[1:2, :] * (1.0 / N) - mean * mean
    inv = lax.rsqrt(var + 1e-5)
    o_ref[...] = jnp.maximum((op_ref[...] - mean) * inv * g_ref[...] + be_ref[...], 0.0)


def _tc_bn(op, st, g2, be2):
    return pl.pallas_call(
        _tc_bn_body,
        grid=(_NB,),
        in_specs=[
            pl.BlockSpec((_BN, D), lambda i: (i, 0)),
            pl.BlockSpec((8, D), lambda i: (0, 0)),
            pl.BlockSpec((1, D), lambda i: (0, 0)),
            pl.BlockSpec((1, D), lambda i: (0, 0)),
        ],
        out_specs=pl.BlockSpec((_BN, D), lambda i: (i, 0)),
        out_shape=jax.ShapeDtypeStruct((N, D), jnp.float32),
    )(op, st, g2, be2)


def kernel(x, edge_index, W, b, gamma, beta):
    npe = EPAD - E
    prow = jnp.arange(npe, dtype=jnp.int32)
    pcol = N + prow % jnp.int32(NPAD - N)
    row3d = jnp.concatenate([edge_index[0], prow]).reshape(NW, CH, CK)
    col3d = jnp.concatenate([edge_index[1], pcol]).reshape(NW, CH, CK)
    zc = jnp.zeros((SA, D), jnp.float32)

    dp = _sc_degree(col3d)
    dpf = dp.reshape(NC, NPAD // D, D)

    eye = jnp.eye(D, dtype=jnp.float32)
    msk = jnp.tile(eye, (_F8, 1))

    xs = _tc_scale(x, W, dpf, msk)

    acc = _sc_scatter(row3d, col3d, xs, zc)

    op, st = _tc_combine(acc, xs, dpf, msk, b.reshape(1, D))
    return _tc_bn(op, st, gamma.reshape(1, D), beta.reshape(1, D))

# --- scband reference (transcript-rebuilt; emitter-appended) ---
"""Pipeline reference for scband-graph-conv-21045339751032 (READ-ONLY COPY).

The authoritative reference and input builder live on the scoring server;
editing this copy changes nothing except your own understanding.
"""

import jax, jax.numpy as jnp
import numpy as np

N = 10000
E = 320000
D_IN = 128
D_OUT = 128

def setup_inputs(seed: int = 0) -> dict:
    key = jax.random.key(seed)
    k1, k2, k3, k4 = jax.random.split(key, 4)
    x = jax.random.normal(k1, (N, D_IN), dtype=jnp.float32)
    edge_index = jax.random.randint(k2, (2, E), 0, N, dtype=jnp.int32)
    # GCNConv linear weight (glorot-style scale) and bias
    W = jax.random.normal(k3, (D_IN, D_OUT), dtype=jnp.float32) / jnp.sqrt(D_IN)
    b = jnp.zeros((D_OUT,), dtype=jnp.float32)
    # BatchNorm1d affine params
    gamma = jnp.ones((D_OUT,), dtype=jnp.float32)
    beta = jnp.zeros((D_OUT,), dtype=jnp.float32)
    return {"x": x, "edge_index": edge_index, "W": W, "b": b, "gamma": gamma, "beta": beta}

def reference(x, edge_index, W, b, gamma, beta):
    n = x.shape[0]
    # edge_weight defaults to ones (the torch module fills ones when None)
    ew = jnp.ones((edge_index.shape[1],), dtype=jnp.float32)
    # GCNConv default: add self loops with weight 1.0
    self_idx = jnp.arange(n, dtype=edge_index.dtype)
    row = jnp.concatenate([edge_index[0], self_idx])
    col = jnp.concatenate([edge_index[1], self_idx])
    ew = jnp.concatenate([ew, jnp.ones((n,), dtype=jnp.float32)])
    # symmetric normalization: deg computed over destination (col)
    deg = jax.ops.segment_sum(ew, col, num_segments=n)
    dis = jnp.where(deg > 0, jax.lax.rsqrt(jnp.where(deg > 0, deg, 1.0)), 0.0)
    norm = dis[row] * ew * dis[col]
    # linear transform then propagate (gather from source row, scatter-add to col)
    xw = x @ W
    msg = xw[row] * norm[:, None]
    out = jax.ops.segment_sum(msg, col, num_segments=n) + b
    # BatchNorm1d (training-mode batch statistics, eps=1e-5)
    mean = jnp.mean(out, axis=0)
    var = jnp.var(out, axis=0)
    out = (out - mean) * jax.lax.rsqrt(var + 1e-5) * gamma + beta
    # dropout is a no-op deterministically (eval); ReLU activation
    out = jax.nn.relu(out)
    return out

if __name__ == "__main__":
    import jax
    _d = setup_inputs()
    print(jax.jit(kernel)(*tuple(_d.values())))

</pallas_src>

<mosaic_0001>
#map = affine_map<(d0, d1) -> (0, 0, 0)>
#map1 = affine_map<(d0, d1) -> (0, 0)>
module attributes {stable_mosaic.version = 14 : i64} {
  func.func @_sc_degree(%arg0: i32, %arg1: i32, %arg2: memref<32x80x128xi32, #tpu.memory_space<hbm>>, %arg3: memref<2x10240xf32, #tpu.memory_space<hbm>>, %arg4: memref<80x128xi32, #tpu.memory_space<vmem>>, %arg5: memref<128xf32, #tpu.memory_space<vmem>>, %arg6: memref<640xf32, #tpu.memory_space<vmem>>, %arg7: memref<10240xf32, #tpu.memory_space<vmem_shared>>, %arg8: memref<!tpu.dma_semaphore, #tpu.memory_space<semaphore_mem>>) attributes {dimension_semantics = [#tpu.dimension_semantics<core_parallel>, #tpu.dimension_semantics<subcore_parallel>], iteration_bounds = array<i64: 2, 16>, scalar_prefetch = 0 : i64, scratch_operands = 5 : i64, tpu.core_type = #tpu.core_type<sc_vector_subcore>, window_params = [{transform_indices = #map}, {transform_indices = #map1}]} {
    %mul3A = arith.constant 2 : i32
    %mul3A_0 = arith.muli %arg1, %mul3A : i32
    %add3A = arith.addi %mul3A_0, %arg0 : i32
    %broadcast_in_dim3A = arith.constant 1.000000e+00 : f32
    %broadcast_in_dim3A_1 = vector.broadcast %broadcast_in_dim3A : f32 to vector<16xf32>
    %swap3A = arith.constant 0 : index
    %swap3A_2 = tpu.vector_load %arg5[%swap3A] {strides = array<i32>} : memref<128xf32, #tpu.memory_space<vmem>>, vector<16xf32>,
    %swap3A_3 = vector.shape_cast %swap3A_2 : vector<16xf32> to vector<16xf32>
    %swap3A_4 = vector.shape_cast %broadcast_in_dim3A_1 : vector<16xf32> to vector<16xf32>
    tpu.vector_store %arg5[%swap3A], %swap3A_4 {strides = array<i32>} : memref<128xf32, #tpu.memory_space<vmem>>, vector<16xf32>,
    %broadcast_in_dim3A_5 = arith.constant 1.000000e+00 : f32
    %broadcast_in_dim3A_6 = vector.broadcast %broadcast_in_dim3A_5 : f32 to vector<16xf32>
    %swap3A_7 = arith.constant 16 : index
    %swap3A_8 = tpu.vector_load %arg5[%swap3A_7] {strides = array<i32>} : memref<128xf32, #tpu.memory_space<vmem>>, vector<16xf32>,
    %swap3A_9 = vector.shape_cast %swap3A_8 : vector<16xf32> to vector<16xf32>
    %swap3A_10 = vector.shape_cast %broadcast_in_dim3A_6 : vector<16xf32> to vector<16xf32>
    tpu.vector_store %arg5[%swap3A_7], %swap3A_10 {strides = array<i32>} : memref<128xf32, #tpu.memory_space<vmem>>, vector<16xf32>,
    %broadcast_in_dim3A_11 = arith.constant 1.000000e+00 : f32
    %broadcast_in_dim3A_12 = vector.broadcast %broadcast_in_dim3A_11 : f32 to vector<16xf32>
    %swap3A_13 = arith.constant 32 : index
    %swap3A_14 = tpu.vector_load %arg5[%swap3A_13] {strides = array<i32>} : memref<128xf32, #tpu.memory_space<vmem>>, vector<16xf32>,
    %swap3A_15 = vector.shape_cast %swap3A_14 : vector<16xf32> to vector<16xf32>
    %swap3A_16 = vector.shape_cast %broadcast_in_dim3A_12 : vector<16xf32> to vector<16xf32>
    tpu.vector_store %arg5[%swap3A_13], %swap3A_16 {strides = array<i32>} : memref<128xf32, #tpu.memory_space<vmem>>, vector<16xf32>,
    %broadcast_in_dim3A_17 = arith.constant 1.000000e+00 : f32
    %broadcast_in_dim3A_18 = vector.broadcast %broadcast_in_dim3A_17 : f32 to vector<16xf32>
    %swap3A_19 = arith.constant 48 : index
    %swap3A_20 = tpu.vector_load %arg5[%swap3A_19] {strides = array<i32>} : memref<128xf32, #tpu.memory_space<vmem>>, vector<16xf32>,
    %swap3A_21 = vector.shape_cast %swap3A_20 : vector<16xf32> to vector<16xf32>
    %swap3A_22 = vector.shape_cast %broadcast_in_dim3A_18 : vector<16xf32> to vector<16xf32>
    tpu.vector_store %arg5[%swap3A_19], %swap3A_22 {strides = array<i32>} : memref<128xf32, #tpu.memory_space<vmem>>, vector<16xf32>,
    %broadcast_in_dim3A_23 = arith.constant 1.000000e+00 : f32
    %broadcast_in_dim3A_24 = vector.broadcast %broadcast_in_dim3A_23 : f32 to vector<16xf32>
    %swap3A_25 = arith.constant 64 : index
    %swap3A_26 = tpu.vector_load %arg5[%swap3A_25] {strides = array<i32>} : memref<128xf32, #tpu.memory_space<vmem>>, vector<16xf32>,
    %swap3A_27 = vector.shape_cast %swap3A_26 : vector<16xf32> to vector<16xf32>
    %swap3A_28 = vector.shape_cast %broadcast_in_dim3A_24 : vector<16xf32> to vector<16xf32>
    tpu.vector_store %arg5[%swap3A_25], %swap3A_28 {strides = array<i32>} : memref<128xf32, #tpu.memory_space<vmem>>, vector<16xf32>,
    %broadcast_in_dim3A_29 = arith.constant 1.000000e+00 : f32
    %broadcast_in_dim3A_30 = vector.broadcast %broadcast_in_dim3A_29 : f32 to vector<16xf32>
    %swap3A_31 = arith.constant 80 : index
    %swap3A_32 = tpu.vector_load %arg5[%swap3A_31] {strides = array<i32>} : memref<128xf32, #tpu.memory_space<vmem>>, vector<16xf32>,
    %swap3A_33 = vector.shape_cast %swap3A_32 : vector<16xf32> to vector<16xf32>
    %swap3A_34 = vector.shape_cast %broadcast_in_dim3A_30 : vector<16xf32> to vector<16xf32>
    tpu.vector_store %arg5[%swap3A_31], %swap3A_34 {strides = array<i32>} : memref<128xf32, #tpu.memory_space<vmem>>, vector<16xf32>,
    %broadcast_in_dim3A_35 = arith.constant 1.000000e+00 : f32
    %broadcast_in_dim3A_36 = vector.broadcast %broadcast_in_dim3A_35 : f32 to vector<16xf32>
    %swap3A_37 = arith.constant 96 : index
    %swap3A_38 = tpu.vector_load %arg5[%swap3A_37] {strides = array<i32>} : memref<128xf32, #tpu.memory_space<vmem>>, vector<16xf32>,
    %swap3A_39 = vector.shape_cast %swap3A_38 : vector<16xf32> to vector<16xf32>
    %swap3A_40 = vector.shape_cast %broadcast_in_dim3A_36 : vector<16xf32> to vector<16xf32>
    tpu.vector_store %arg5[%swap3A_37], %swap3A_40 {strides = array<i32>} : memref<128xf32, #tpu.memory_space<vmem>>, vector<16xf32>,
    %broadcast_in_dim3A_41 = arith.constant 1.000000e+00 : f32
    %broadcast_in_dim3A_42 = vector.broadcast %broadcast_in_dim3A_41 : f32 to vector<16xf32>
    %swap3A_43 = arith.constant 112 : index
    %swap3A_44 = tpu.vector_load %arg5[%swap3A_43] {strides = array<i32>} : memref<128xf32, #tpu.memory_space<vmem>>, vector<16xf32>,
    %swap3A_45 = vector.shape_cast %swap3A_44 : vector<16xf32> to vector<16xf32>
    %swap3A_46 = vector.shape_cast %broadcast_in_dim3A_42 : vector<16xf32> to vector<16xf32>
    tpu.vector_store %arg5[%swap3A_43], %swap3A_46 {strides = array<i32>} : memref<128xf32, #tpu.memory_space<vmem>>, vector<16xf32>,
    %broadcast_in_dim3A_47 = arith.constant 0.000000e+00 : f32
    %broadcast_in_dim3A_48 = vector.broadcast %broadcast_in_dim3A_47 : f32 to vector<16xf32>
    %swap3A_49 = arith.constant 0 : index
    %swap3A_50 = tpu.vector_load %arg6[%swap3A_49] {strides = array<i32>} : memref<640xf32, #tpu.memory_space<vmem>>, vector<16xf32>,
    %swap3A_51 = vector.shape_cast %swap3A_50 : vector<16xf32> to vector<16xf32>
    %swap3A_52 = vector.shape_cast %broadcast_in_dim3A_48 : vector<16xf32> to vector<16xf32>
    tpu.vector_store %arg6[%swap3A_49], %swap3A_52 {strides = array<i32>} : memref<640xf32, #tpu.memory_space<vmem>>, vector<16xf32>,
    %broadcast_in_dim3A_53 = arith.constant 0.000000e+00 : f32
    %broadcast_in_dim3A_54 = vector.broadcast %broadcast_in_dim3A_53 : f32 to vector<16xf32>
    %swap3A_55 = arith.constant 16 : index
    %swap3A_56 = tpu.vector_load %arg6[%swap3A_55] {strides = array<i32>} : memref<640xf32, #tpu.memory_space<vmem>>, vector<16xf32>,
    %swap3A_57 = vector.shape_cast %swap3A_56 : vector<16xf32> to vector<16xf32>
    %swap3A_58 = vector.shape_cast %broadcast_in_dim3A_54 : vector<16xf32> to vector<16xf32>
    tpu.vector_store %arg6[%swap3A_55], %swap3A_58 {strides = array<i32>} : memref<640xf32, #tpu.memory_space<vmem>>, vector<16xf32>,
    %broadcast_in_dim3A_59 = arith.constant 0.000000e+00 : f32
    %broadcast_in_dim3A_60 = vector.broadcast %broadcast_in_dim3A_59 : f32 to vector<16xf32>
    %swap3A_61 = arith.constant 32 : index
    %swap3A_62 = tpu.vector_load %arg6[%swap3A_61] {strides = array<i32>} : memref<640xf32, #tpu.memory_space<vmem>>, vector<16xf32>,
    %swap3A_63 = vector.shape_cast %swap3A_62 : vector<16xf32> to vector<16xf32>
    %swap3A_64 = vector.shape_cast %broadcast_in_dim3A_60 : vector<16xf32> to vector<16xf32>
    tpu.vector_store %arg6[%swap3A_61], %swap3A_64 {strides = array<i32>} : memref<640xf32, #tpu.memory_space<vmem>>, vector<16xf32>,
    %broadcast_in_dim3A_65 = arith.constant 0.000000e+00 : f32
    %broadcast_in_dim3A_66 = vector.broadcast %broadcast_in_dim3A_65 : f32 to vector<16xf32>
    %swap3A_67 = arith.constant 48 : index
    %swap3A_68 = tpu.vector_load %arg6[%swap3A_67] {strides = array<i32>} : memref<640xf32, #tpu.memory_space<vmem>>, vector<16xf32>,
    %swap3A_69 = vector.shape_cast %swap3A_68 : vector<16xf32> to vector<16xf32>
    %swap3A_70 = vector.shape_cast %broadcast_in_dim3A_66 : vector<16xf32> to vector<16xf32>
    tpu.vector_store %arg6[%swap3A_67], %swap3A_70 {strides = array<i32>} : memref<640xf32, #tpu.memory_space<vmem>>, vector<16xf32>,
    %broadcast_in_dim3A_71 = arith.constant 0.000000e+00 : f32
    %broadcast_in_dim3A_72 = vector.broadcast %broadcast_in_dim3A_71 : f32 to vector<16xf32>
    %swap3A_73 = arith.constant 64 : index
    %swap3A_74 = tpu.vector_load %arg6[%swap3A_73] {strides = array<i32>} : memref<640xf32, #tpu.memory_space<vmem>>, vector<16xf32>,
    %swap3A_75 = vector.shape_cast %swap3A_74 : vector<16xf32> to vector<16xf32>
    %swap3A_76 = vector.shape_cast %broadcast_in_dim3A_72 : vector<16xf32> to vector<16xf32>
    tpu.vector_store %arg6[%swap3A_73], %swap3A_76 {strides = array<i32>} : memref<640xf32, #tpu.memory_space<vmem>>, vector<16xf32>,
    %broadcast_in_dim3A_77 = arith.constant 0.000000e+00 : f32
    %broadcast_in_dim3A_78 = vector.broadcast %broadcast_in_dim3A_77 : f32 to vector<16xf32>
    %swap3A_79 = arith.constant 80 : index
    %swap3A_80 = tpu.vector_load %arg6[%swap3A_79] {strides = array<i32>} : memref<640xf32, #tpu.memory_space<vmem>>, vector<16xf32>,
    %swap3A_81 = vector.shape_cast %swap3A_80 : vector<16xf32> to vector<16xf32>
    %swap3A_82 = vector.shape_cast %broadcast_in_dim3A_78 : vector<16xf32> to vector<16xf32>
    tpu.vector_store %arg6[%swap3A_79], %swap3A_82 {strides = array<i32>} : memref<640xf32, #tpu.memory_space<vmem>>, vector<16xf32>,
    %broadcast_in_dim3A_83 = arith.constant 0.000000e+00 : f32
    %broadcast_in_dim3A_84 = vector.broadcast %broadcast_in_dim3A_83 : f32 to vector<16xf32>
    %swap3A_85 = arith.constant 96 : index
    %swap3A_86 = tpu.vector_load %arg6[%swap3A_85] {strides = array<i32>} : memref<640xf32, #tpu.memory_space<vmem>>, vector<16xf32>,
    %swap3A_87 = vector.shape_cast %swap3A_86 : vector<16xf32> to vector<16xf32>
    %swap3A_88 = vector.shape_cast %broadcast_in_dim3A_84 : vector<16xf32> to vector<16xf32>
    tpu.vector_store %arg6[%swap3A_85], %swap3A_88 {strides = array<i32>} : memref<640xf32, #tpu.memory_space<vmem>>, vector<16xf32>,
    %broadcast_in_dim3A_89 = arith.constant 0.000000e+00 : f32
    %broadcast_in_dim3A_90 = vector.broadcast %broadcast_in_dim3A_89 : f32 to vector<16xf32>
    %swap3A_91 = arith.constant 112 : index
    %swap3A_92 = tpu.vector_load %arg6[%swap3A_91] {strides = array<i32>} : memref<640xf32, #tpu.memory_space<vmem>>, vector<16xf32>,
    %swap3A_93 = vector.shape_cast %swap3A_92 : vector<16xf32> to vector<16xf32>
    %swap3A_94 = vector.shape_cast %broadcast_in_dim3A_90 : vector<16xf32> to vector<16xf32>
    tpu.vector_store %arg6[%swap3A_91], %swap3A_94 {strides = array<i32>} : memref<640xf32, #tpu.memory_space<vmem>>, vector<16xf32>,
    %broadcast_in_dim3A_95 = arith.constant 0.000000e+00 : f32
    %broadcast_in_dim3A_96 = vector.broadcast %broadcast_in_dim3A_95 : f32 to vector<16xf32>
    %swap3A_97 = arith.constant 128 : index
    %swap3A_98 = tpu.vector_load %arg6[%swap3A_97] {strides = array<i32>} : memref<640xf32, #tpu.memory_space<vmem>>, vector<16xf32>,
    %swap3A_99 = vector.shape_cast %swap3A_98 : vector<16xf32> to vector<16xf32>
    %swap3A_100 = vector.shape_cast %broadcast_in_dim3A_96 : vector<16xf32> to vector<16xf32>
    tpu.vector_store %arg6[%swap3A_97], %swap3A_100 {strides = array<i32>} : memref<640xf32, #tpu.memory_space<vmem>>, vector<16xf32>,
    %broadcast_in_dim3A_101 = arith.constant 0.000000e+00 : f32
    %broadcast_in_dim3A_102 = vector.broadcast %broadcast_in_dim3A_101 : f32 to vector<16xf32>
    %swap3A_103 = arith.constant 144 : index
    %swap3A_104 = tpu.vector_load %arg6[%swap3A_103] {strides = array<i32>} : memref<640xf32, #tpu.memory_space<vmem>>, vector<16xf32>,
    %swap3A_105 = vector.shape_cast %swap3A_104 : vector<16xf32> to vector<16xf32>
    %swap3A_106 = vector.shape_cast %broadcast_in_dim3A_102 : vector<16xf32> to vector<16xf32>
    tpu.vector_store %arg6[%swap3A_103], %swap3A_106 {strides = array<i32>} : memref<640xf32, #tpu.memory_space<vmem>>, vector<16xf32>,
    %broadcast_in_dim3A_107 = arith.constant 0.000000e+00 : f32
    %broadcast_in_dim3A_108 = vector.broadcast %broadcast_in_dim3A_107 : f32 to vector<16xf32>
    %swap3A_109 = arith.constant 160 : index
    %swap3A_110 = tpu.vector_load %arg6[%swap3A_109] {strides = array<i32>} : memref<640xf32, #tpu.memory_space<vmem>>, vector<16xf32>,
    %swap3A_111 = vector.shape_cast %swap3A_110 : vector<16xf32> to vector<16xf32>
    %swap3A_112 = vector.shape_cast %broadcast_in_dim3A_108 : vector<16xf32> to vector<16xf32>
    tpu.vector_store %arg6[%swap3A_109], %swap3A_112 {strides = array<i32>} : memref<640xf32, #tpu.memory_space<vmem>>, vector<16xf32>,
    %broadcast_in_dim3A_113 = arith.constant 0.000000e+00 : f32
    %broadcast_in_dim3A_114 = vector.broadcast %broadcast_in_dim3A_113 : f32 to vector<16xf32>
    %swap3A_115 = arith.constant 176 : index
    %swap3A_116 = tpu.vector_load %arg6[%swap3A_115] {strides = array<i32>} : memref<640xf32, #tpu.memory_space<vmem>>, vector<16xf32>,
    %swap3A_117 = vector.shape_cast %swap3A_116 : vector<16xf32> to vector<16xf32>
    %swap3A_118 = vector.shape_cast %broadcast_in_dim3A_114 : vector<16xf32> to vector<16xf32>
    tpu.vector_store %arg6[%swap3A_115], %swap3A_118 {strides = array<i32>} : memref<640xf32, #tpu.memory_space<vmem>>, vector<16xf32>,
    %broadcast_in_dim3A_119 = arith.constant 0.000000e+00 : f32
    %broadcast_in_dim3A_120 = vector.broadcast %broadcast_in_dim3A_119 : f32 to vector<16xf32>
    %swap3A_121 = arith.constant 192 : index
    %swap3A_122 = tpu.vector_load %arg6[%swap3A_121] {strides = array<i32>} : memref<640xf32, #tpu.memory_space<vmem>>, vector<16xf32>,
    %swap3A_123 = vector.shape_cast %swap3A_122 : vector<16xf32> to vector<16xf32>
    %swap3A_124 = vector.shape_cast %broadcast_in_dim3A_120 : vector<16xf32> to vector<16xf32>
    tpu.vector_store %arg6[%swap3A_121], %swap3A_124 {strides = array<i32>} : memref<640xf32, #tpu.memory_space<vmem>>, vector<16xf32>,
    %broadcast_in_dim3A_125 = arith.constant 0.000000e+00 : f32
    %broadcast_in_dim3A_126 = vector.broadcast %broadcast_in_dim3A_125 : f32 to vector<16xf32>
    %swap3A_127 = arith.constant 208 : index
    %swap3A_128 = tpu.vector_load %arg6[%swap3A_127] {strides = array<i32>} : memref<640xf32, #tpu.memory_space<vmem>>, vector<16xf32>,
    %swap3A_129 = vector.shape_cast %swap3A_128 : vector<16xf32> to vector<16xf32>
    %swap3A_130 = vector.shape_cast %broadcast_in_dim3A_126 : vector<16xf32> to vector<16xf32>
    tpu.vector_store %arg6[%swap3A_127], %swap3A_130 {strides = array<i32>} : memref<640xf32, #tpu.memory_space<vmem>>, vector<16xf32>,
    %broadcast_in_dim3A_131 = arith.constant 0.000000e+00 : f32
    %broadcast_in_dim3A_132 = vector.broadcast %broadcast_in_dim3A_131 : f32 to vector<16xf32>
    %swap3A_133 = arith.constant 224 : index
    %swap3A_134 = tpu.vector_load %arg6[%swap3A_133] {strides = array<i32>} : memref<640xf32, #tpu.memory_space<vmem>>, vector<16xf32>,
    %swap3A_135 = vector.shape_cast %swap3A_134 : vector<16xf32> to vector<16xf32>
    %swap3A_136 = vector.shape_cast %broadcast_in_dim3A_132 : vector<16xf32> to vector<16xf32>
    tpu.vector_store %arg6[%swap3A_133], %swap3A_136 {strides = array<i32>} : memref<640xf32, #tpu.memory_space<vmem>>, vector<16xf32>,
    %broadcast_in_dim3A_137 = arith.constant 0.000000e+00 : f32
    %broadcast_in_dim3A_138 = vector.broadcast %broadcast_in_dim3A_137 : f32 to vector<16xf32>
    %swap3A_139 = arith.constant 240 : index
    %swap3A_140 = tpu.vector_load %arg6[%swap3A_139] {strides = array<i32>} : memref<640xf32, #tpu.memory_space<vmem>>, vector<16xf32>,
    %swap3A_141 = vector.shape_cast %swap3A_140 : vector<16xf32> to vector<16xf32>
    %swap3A_142 = vector.shape_cast %broadcast_in_dim3A_138 : vector<16xf32> to vector<16xf32>
    tpu.vector_store %arg6[%swap3A_139], %swap3A_142 {strides = array<i32>} : memref<640xf32, #tpu.memory_space<vmem>>, vector<16xf32>,
    %broadcast_in_dim3A_143 = arith.constant 0.000000e+00 : f32
    %broadcast_in_dim3A_144 = vector.broadcast %broadcast_in_dim3A_143 : f32 to vector<16xf32>
    %swap3A_145 = arith.constant 256 : index
    %swap3A_146 = tpu.vector_load %arg6[%swap3A_145] {strides = array<i32>} : memref<640xf32, #tpu.memory_space<vmem>>, vector<16xf32>,
    %swap3A_147 = vector.shape_cast %swap3A_146 : vector<16xf32> to vector<16xf32>
    %swap3A_148 = vector.shape_cast %broadcast_in_dim3A_144 : vector<16xf32> to vector<16xf32>
    tpu.vector_store %arg6[%swap3A_145], %swap3A_148 {strides = array<i32>} : memref<640xf32, #tpu.memory_space<vmem>>, vector<16xf32>,
    %broadcast_in_dim3A_149 = arith.constant 0.000000e+00 : f32
    %broadcast_in_dim3A_150 = vector.broadcast %broadcast_in_dim3A_149 : f32 to vector<16xf32>
    %swap3A_151 = arith.constant 272 : index
    %swap3A_152 = tpu.vector_load %arg6[%swap3A_151] {strides = array<i32>} : memref<640xf32, #tpu.memory_space<vmem>>, vector<16xf32>,
    %swap3A_153 = vector.shape_cast %swap3A_152 : vector<16xf32> to vector<16xf32>
    %swap3A_154 = vector.shape_cast %broadcast_in_dim3A_150 : vector<16xf32> to vector<16xf32>
    tpu.vector_store %arg6[%swap3A_151], %swap3A_154 {strides = array<i32>} : memref<640xf32, #tpu.memory_space<vmem>>, vector<16xf32>,
    %broadcast_in_dim3A_155 = arith.constant 0.000000e+00 : f32
    %broadcast_in_dim3A_156 = vector.broadcast %broadcast_in_dim3A_155 : f32 to vector<16xf32>
    %swap3A_157 = arith.constant 288 : index
    %swap3A_158 = tpu.vector_load %arg6[%swap3A_157] {strides = array<i32>} : memref<640xf32, #tpu.memory_space<vmem>>, vector<16xf32>,
    %swap3A_159 = vector.shape_cast %swap3A_158 : vector<16xf32> to vector<16xf32>
    %swap3A_160 = vector.shape_cast %broadcast_in_dim3A_156 : vector<16xf32> to vector<16xf32>
    tpu.vector_store %arg6[%swap3A_157], %swap3A_160 {strides = array<i32>} : memref<640xf32, #tpu.memory_space<vmem>>, vector<16xf32>,
    %broadcast_in_dim3A_161 = arith.constant 0.000000e+00 : f32
    %broadcast_in_dim3A_162 = vector.broadcast %broadcast_in_dim3A_161 : f32 to vector<16xf32>
    %swap3A_163 = arith.constant 304 : index
    %swap3A_164 = tpu.vector_load %arg6[%swap3A_163] {strides = array<i32>} : memref<640xf32, #tpu.memory_space<vmem>>, vector<16xf32>,
    %swap3A_165 = vector.shape_cast %swap3A_164 : vector<16xf32> to vector<16xf32>
    %swap3A_166 = vector.shape_cast %broadcast_in_dim3A_162 : vector<16xf32> to vector<16xf32>
    tpu.vector_store %arg6[%swap3A_163], %swap3A_166 {strides = array<i32>} : memref<640xf32, #tpu.memory_space<vmem>>, vector<16xf32>,
    %broadcast_in_dim3A_167 = arith.constant 0.000000e+00 : f32
    %broadcast_in_dim3A_168 = vector.broadcast %broadcast_in_dim3A_167 : f32 to vector<16xf32>
    %swap3A_169 = arith.constant 320 : index
    %swap3A_170 = tpu.vector_load %arg6[%swap3A_169] {strides = array<i32>} : memref<640xf32, #tpu.memory_space<vmem>>, vector<16xf32>,
    %swap3A_171 = vector.shape_cast %swap3A_170 : vector<16xf32> to vector<16xf32>
    %swap3A_172 = vector.shape_cast %broadcast_in_dim3A_168 : vector<16xf32> to vector<16xf32>
    tpu.vector_store %arg6[%swap3A_169], %swap3A_172 {strides = array<i32>} : memref<640xf32, #tpu.memory_space<vmem>>, vector<16xf32>,
    %broadcast_in_dim3A_173 = arith.constant 0.000000e+00 : f32
    %broadcast_in_dim3A_174 = vector.broadcast %broadcast_in_dim3A_173 : f32 to vector<16xf32>
    %swap3A_175 = arith.constant 336 : index
    %swap3A_176 = tpu.vector_load %arg6[%swap3A_175] {strides = array<i32>} : memref<640xf32, #tpu.memory_space<vmem>>, vector<16xf32>,
    %swap3A_177 = vector.shape_cast %swap3A_176 : vector<16xf32> to vector<16xf32>
    %swap3A_178 = vector.shape_cast %broadcast_in_dim3A_174 : vector<16xf32> to vector<16xf32>
    tpu.vector_store %arg6[%swap3A_175], %swap3A_178 {strides = array<i32>} : memref<640xf32, #tpu.memory_space<vmem>>, vector<16xf32>,
    %broadcast_in_dim3A_179 = arith.constant 0.000000e+00 : f32
    %broadcast_in_dim3A_180 = vector.broadcast %broadcast_in_dim3A_179 : f32 to vector<16xf32>
    %swap3A_181 = arith.constant 352 : index
    %swap3A_182 = tpu.vector_load %arg6[%swap3A_181] {strides = array<i32>} : memref<640xf32, #tpu.memory_space<vmem>>, vector<16xf32>,
    %swap3A_183 = vector.shape_cast %swap3A_182 : vector<16xf32> to vector<16xf32>
    %swap3A_184 = vector.shape_cast %broadcast_in_dim3A_180 : vector<16xf32> to vector<16xf32>
    tpu.vector_store %arg6[%swap3A_181], %swap3A_184 {strides = array<i32>} : memref<640xf32, #tpu.memory_space<vmem>>, vector<16xf32>,
    %broadcast_in_dim3A_185 = arith.constant 0.000000e+00 : f32
    %broadcast_in_dim3A_186 = vector.broadcast %broadcast_in_dim3A_185 : f32 to vector<16xf32>
    %swap3A_187 = arith.constant 368 : index
    %swap3A_188 = tpu.vector_load %arg6[%swap3A_187] {strides = array<i32>} : memref<640xf32, #tpu.memory_space<vmem>>, vector<16xf32>,
    %swap3A_189 = vector.shape_cast %swap3A_188 : vector<16xf32> to vector<16xf32>
    %swap3A_190 = vector.shape_cast %broadcast_in_dim3A_186 : vector<16xf32> to vector<16xf32>
    tpu.vector_store %arg6[%swap3A_187], %swap3A_190 {strides = array<i32>} : memref<640xf32, #tpu.memory_space<vmem>>, vector<16xf32>,
    %broadcast_in_dim3A_191 = arith.constant 0.000000e+00 : f32
    %broadcast_in_dim3A_192 = vector.broadcast %broadcast_in_dim3A_191 : f32 to vector<16xf32>
    %swap3A_193 = arith.constant 384 : index
    %swap3A_194 = tpu.vector_load %arg6[%swap3A_193] {strides = array<i32>} : memref<640xf32, #tpu.memory_space<vmem>>, vector<16xf32>,
    %swap3A_195 = vector.shape_cast %swap3A_194 : vector<16xf32> to vector<16xf32>
    %swap3A_196 = vector.shape_cast %broadcast_in_dim3A_192 : vector<16xf32> to vector<16xf32>
    tpu.vector_store %arg6[%swap3A_193], %swap3A_196 {strides = array<i32>} : memref<640xf32, #tpu.memory_space<vmem>>, vector<16xf32>,
    %broadcast_in_dim3A_197 = arith.constant 0.000000e+00 : f32
    %broadcast_in_dim3A_198 = vector.broadcast %broadcast_in_dim3A_197 : f32 to vector<16xf32>
    %swap3A_199 = arith.constant 400 : index
    %swap3A_200 = tpu.vector_load %arg6[%swap3A_199] {strides = array<i32>} : memref<640xf32, #tpu.memory_space<vmem>>, vector<16xf32>,
    %swap3A_201 = vector.shape_cast %swap3A_200 : vector<16xf32> to vector<16xf32>
    %swap3A_202 = vector.shape_cast %broadcast_in_dim3A_198 : vector<16xf32> to vector<16xf32>
    tpu.vector_store %arg6[%swap3A_199], %swap3A_202 {strides = array<i32>} : memref<640xf32, #tpu.memory_space<vmem>>, vector<16xf32>,
    %broadcast_in_dim3A_203 = arith.constant 0.000000e+00 : f32
    %broadcast_in_dim3A_204 = vector.broadcast %broadcast_in_dim3A_203 : f32 to vector<16xf32>
    %swap3A_205 = arith.constant 416 : index
    %swap3A_206 = tpu.vector_load %arg6[%swap3A_205] {strides = array<i32>} : memref<640xf32, #tpu.memory_space<vmem>>, vector<16xf32>,
    %swap3A_207 = vector.shape_cast %swap3A_206 : vector<16xf32> to vector<16xf32>
    %swap3A_208 = vector.shape_cast %broadcast_in_dim3A_204 : vector<16xf32> to vector<16xf32>
    tpu.vector_store %arg6[%swap3A_205], %swap3A_208 {strides = array<i32>} : memref<640xf32, #tpu.memory_space<vmem>>, vector<16xf32>,
    %broadcast_in_dim3A_209 = arith.constant 0.000000e+00 : f32
    %broadcast_in_dim3A_210 = vector.broadcast %broadcast_in_dim3A_209 : f32 to vector<16xf32>
    %swap3A_211 = arith.constant 432 : index
    %swap3A_212 = tpu.vector_load %arg6[%swap3A_211] {strides = array<i32>} : memref<640xf32, #tpu.memory_space<vmem>>, vector<16xf32>,
    %swap3A_213 = vector.shape_cast %swap3A_212 : vector<16xf32> to vector<16xf32>
    %swap3A_214 = vector.shape_cast %broadcast_in_dim3A_210 : vector<16xf32> to vector<16xf32>
    tpu.vector_store %arg6[%swap3A_211], %swap3A_214 {strides = array<i32>} : memref<640xf32, #tpu.memory_space<vmem>>, vector<16xf32>,
    %broadcast_in_dim3A_215 = arith.constant 0.000000e+00 : f32
    %broadcast_in_dim3A_216 = vector.broadcast %broadcast_in_dim3A_215 : f32 to vector<16xf32>
    %swap3A_217 = arith.constant 448 : index
    %swap3A_218 = tpu.vector_load %arg6[%swap3A_217] {strides = array<i32>} : memref<640xf32, #tpu.memory_space<vmem>>, vector<16xf32>,
    %swap3A_219 = vector.shape_cast %swap3A_218 : vector<16xf32> to vector<16xf32>
    %swap3A_220 = vector.shape_cast %broadcast_in_dim3A_216 : vector<16xf32> to vector<16xf32>
    tpu.vector_store %arg6[%swap3A_217], %swap3A_220 {strides = array<i32>} : memref<640xf32, #tpu.memory_space<vmem>>, vector<16xf32>,
    %broadcast_in_dim3A_221 = arith.constant 0.000000e+00 : f32
    %broadcast_in_dim3A_222 = vector.broadcast %broadcast_in_dim3A_221 : f32 to vector<16xf32>
    %swap3A_223 = arith.constant 464 : index
    %swap3A_224 = tpu.vector_load %arg6[%swap3A_223] {strides = array<i32>} : memref<640xf32, #tpu.memory_space<vmem>>, vector<16xf32>,
    %swap3A_225 = vector.shape_cast %swap3A_224 : vector<16xf32> to vector<16xf32>
    %swap3A_226 = vector.shape_cast %broadcast_in_dim3A_222 : vector<16xf32> to vector<16xf32>
    tpu.vector_store %arg6[%swap3A_223], %swap3A_226 {strides = array<i32>} : memref<640xf32, #tpu.memory_space<vmem>>, vector<16xf32>,
    %broadcast_in_dim3A_227 = arith.constant 0.000000e+00 : f32
    %broadcast_in_dim3A_228 = vector.broadcast %broadcast_in_dim3A_227 : f32 to vector<16xf32>
    %swap3A_229 = arith.constant 480 : index
    %swap3A_230 = tpu.vector_load %arg6[%swap3A_229] {strides = array<i32>} : memref<640xf32, #tpu.memory_space<vmem>>, vector<16xf32>,
    %swap3A_231 = vector.shape_cast %swap3A_230 : vector<16xf32> to vector<16xf32>
    %swap3A_232 = vector.shape_cast %broadcast_in_dim3A_228 : vector<16xf32> to vector<16xf32>
    tpu.vector_store %arg6[%swap3A_229], %swap3A_232 {strides = array<i32>} : memref<640xf32, #tpu.memory_space<vmem>>, vector<16xf32>,
    %broadcast_in_dim3A_233 = arith.constant 0.000000e+00 : f32
    %broadcast_in_dim3A_234 = vector.broadcast %broadcast_in_dim3A_233 : f32 to vector<16xf32>
    %swap3A_235 = arith.constant 496 : index
    %swap3A_236 = tpu.vector_load %arg6[%swap3A_235] {strides = array<i32>} : memref<640xf32, #tpu.memory_space<vmem>>, vector<16xf32>,
    %swap3A_237 = vector.shape_cast %swap3A_236 : vector<16xf32> to vector<16xf32>
    %swap3A_238 = vector.shape_cast %broadcast_in_dim3A_234 : vector<16xf32> to vector<16xf32>
    tpu.vector_store %arg6[%swap3A_235], %swap3A_238 {strides = array<i32>} : memref<640xf32, #tpu.memory_space<vmem>>, vector<16xf32>,
    %broadcast_in_dim3A_239 = arith.constant 0.000000e+00 : f32
    %broadcast_in_dim3A_240 = vector.broadcast %broadcast_in_dim3A_239 : f32 to vector<16xf32>
    %swap3A_241 = arith.constant 512 : index
    %swap3A_242 = tpu.vector_load %arg6[%swap3A_241] {strides = array<i32>} : memref<640xf32, #tpu.memory_space<vmem>>, vector<16xf32>,
    %swap3A_243 = vector.shape_cast %swap3A_242 : vector<16xf32> to vector<16xf32>
    %swap3A_244 = vector.shape_cast %broadcast_in_dim3A_240 : vector<16xf32> to vector<16xf32>
    tpu.vector_store %arg6[%swap3A_241], %swap3A_244 {strides = array<i32>} : memref<640xf32, #tpu.memory_space<vmem>>, vector<16xf32>,
    %broadcast_in_dim3A_245 = arith.constant 0.000000e+00 : f32
    %broadcast_in_dim3A_246 = vector.broadcast %broadcast_in_dim3A_245 : f32 to vector<16xf32>
    %swap3A_247 = arith.constant 528 : index
    %swap3A_248 = tpu.vector_load %arg6[%swap3A_247] {strides = array<i32>} : memref<640xf32, #tpu.memory_space<vmem>>, vector<16xf32>,
    %swap3A_249 = vector.shape_cast %swap3A_248 : vector<16xf32> to vector<16xf32>
    %swap3A_250 = vector.shape_cast %broadcast_in_dim3A_246 : vector<16xf32> to vector<16xf32>
    tpu.vector_store %arg6[%swap3A_247], %swap3A_250 {strides = array<i32>} : memref<640xf32, #tpu.memory_space<vmem>>, vector<16xf32>,
    %broadcast_in_dim3A_251 = arith.constant 0.000000e+00 : f32
    %broadcast_in_dim3A_252 = vector.broadcast %broadcast_in_dim3A_251 : f32 to vector<16xf32>
    %swap3A_253 = arith.constant 544 : index
    %swap3A_254 = tpu.vector_load %arg6[%swap3A_253] {strides = array<i32>} : memref<640xf32, #tpu.memory_space<vmem>>, vector<16xf32>,
    %swap3A_255 = vector.shape_cast %swap3A_254 : vector<16xf32> to vector<16xf32>
    %swap3A_256 = vector.shape_cast %broadcast_in_dim3A_252 : vector<16xf32> to vector<16xf32>
    tpu.vector_store %arg6[%swap3A_253], %swap3A_256 {strides = array<i32>} : memref<640xf32, #tpu.memory_space<vmem>>, vector<16xf32>,
    %broadcast_in_dim3A_257 = arith.constant 0.000000e+00 : f32
    %broadcast_in_dim3A_258 = vector.broadcast %broadcast_in_dim3A_257 : f32 to vector<16xf32>
    %swap3A_259 = arith.constant 560 : index
    %swap3A_260 = tpu.vector_load %arg6[%swap3A_259] {strides = array<i32>} : memref<640xf32, #tpu.memory_space<vmem>>, vector<16xf32>,
    %swap3A_261 = vector.shape_cast %swap3A_260 : vector<16xf32> to vector<16xf32>
    %swap3A_262 = vector.shape_cast %broadcast_in_dim3A_258 : vector<16xf32> to vector<16xf32>
    tpu.vector_store %arg6[%swap3A_259], %swap3A_262 {strides = array<i32>} : memref<640xf32, #tpu.memory_space<vmem>>, vector<16xf32>,
    %broadcast_in_dim3A_263 = arith.constant 0.000000e+00 : f32
    %broadcast_in_dim3A_264 = vector.broadcast %broadcast_in_dim3A_263 : f32 to vector<16xf32>
    %swap3A_265 = arith.constant 576 : index
    %swap3A_266 = tpu.vector_load %arg6[%swap3A_265] {strides = array<i32>} : memref<640xf32, #tpu.memory_space<vmem>>, vector<16xf32>,
    %swap3A_267 = vector.shape_cast %swap3A_266 : vector<16xf32> to vector<16xf32>
    %swap3A_268 = vector.shape_cast %broadcast_in_dim3A_264 : vector<16xf32> to vector<16xf32>
    tpu.vector_store %arg6[%swap3A_265], %swap3A_268 {strides = array<i32>} : memref<640xf32, #tpu.memory_space<vmem>>, vector<16xf32>,
    %broadcast_in_dim3A_269 = arith.constant 0.000000e+00 : f32
    %broadcast_in_dim3A_270 = vector.broadcast %broadcast_in_dim3A_269 : f32 to vector<16xf32>
    %swap3A_271 = arith.constant 592 : index
    %swap3A_272 = tpu.vector_load %arg6[%swap3A_271] {strides = array<i32>} : memref<640xf32, #tpu.memory_space<vmem>>, vector<16xf32>,
    %swap3A_273 = vector.shape_cast %swap3A_272 : vector<16xf32> to vector<16xf32>
    %swap3A_274 = vector.shape_cast %broadcast_in_dim3A_270 : vector<16xf32> to vector<16xf32>
    tpu.vector_store %arg6[%swap3A_271], %swap3A_274 {strides = array<i32>} : memref<640xf32, #tpu.memory_space<vmem>>, vector<16xf32>,
    %broadcast_in_dim3A_275 = arith.constant 0.000000e+00 : f32
    %broadcast_in_dim3A_276 = vector.broadcast %broadcast_in_dim3A_275 : f32 to vector<16xf32>
    %swap3A_277 = arith.constant 608 : index
    %swap3A_278 = tpu.vector_load %arg6[%swap3A_277] {strides = array<i32>} : memref<640xf32, #tpu.memory_space<vmem>>, vector<16xf32>,
    %swap3A_279 = vector.shape_cast %swap3A_278 : vector<16xf32> to vector<16xf32>
    %swap3A_280 = vector.shape_cast %broadcast_in_dim3A_276 : vector<16xf32> to vector<16xf32>
    tpu.vector_store %arg6[%swap3A_277], %swap3A_280 {strides = array<i32>} : memref<640xf32, #tpu.memory_space<vmem>>, vector<16xf32>,
    %broadcast_in_dim3A_281 = arith.constant 0.000000e+00 : f32
    %broadcast_in_dim3A_282 = vector.broadcast %broadcast_in_dim3A_281 : f32 to vector<16xf32>
    %swap3A_283 = arith.constant 624 : index
    %swap3A_284 = tpu.vector_load %arg6[%swap3A_283] {strides = array<i32>} : memref<640xf32, #tpu.memory_space<vmem>>, vector<16xf32>,
    %swap3A_285 = vector.shape_cast %swap3A_284 : vector<16xf32> to vector<16xf32>
    %swap3A_286 = vector.shape_cast %broadcast_in_dim3A_282 : vector<16xf32> to vector<16xf32>
    tpu.vector_store %arg6[%swap3A_283], %swap3A_286 {strides = array<i32>} : memref<640xf32, #tpu.memory_space<vmem>>, vector<16xf32>,
    %mul3A_287 = arith.constant 640 : i32
    %mul3A_288 = arith.muli %arg1, %mul3A_287 : i32
    "tpu.region"() ({
      %run_scoped3A = tpu.sem_alloc : memref<!tpu.dma_semaphore, #tpu.memory_space<semaphore_mem>>
      %dma_start3A = tpu.memref_slice %arg7[%mul3A_288] : memref<10240xf32, #tpu.memory_space<vmem_shared>> -> memref<640xf32, #tpu.memory_space<vmem_shared>>
      %dma_start3A_300 = tpu.memref_slice %arg7[%mul3A_288] : memref<10240xf32, #tpu.memory_space<vmem_shared>> -> memref<640xf32, #tpu.memory_space<vmem_shared>>
      tpu.enqueue_dma source(%arg6 : memref<640xf32, #tpu.memory_space<vmem>>) target(%dma_start3A_300 : memref<640xf32, #tpu.memory_space<vmem_shared>>) target_semaphore(%run_scoped3A : memref<!tpu.dma_semaphore, #tpu.memory_space<semaphore_mem>>)
      %dma_wait3A = tpu.memref_slice %arg7[%mul3A_288] : memref<10240xf32, #tpu.memory_space<vmem_shared>> -> memref<640xf32, #tpu.memory_space<vmem_shared>>
      %dma_wait3A_301 = tpu.memref_slice %arg7[%mul3A_288] : memref<10240xf32, #tpu.memory_space<vmem_shared>> -> memref<640xf32, #tpu.memory_space<vmem_shared>>
      tpu.wait_dma2 semaphore(%run_scoped3A : memref<!tpu.dma_semaphore, #tpu.memory_space<semaphore_mem>>) src(%arg6 : memref<640xf32, #tpu.memory_space<vmem>>) dst(%dma_wait3A_301 : memref<640xf32, #tpu.memory_space<vmem_shared>>)
      tpu.yield
    }) : () -> ()
    "tpu.region"() ({
      %run_scoped3A = tpu.sem_alloc : memref<!tpu.dma_semaphore, #tpu.memory_space<semaphore_mem>>
      %dma_start3A = arith.constant 0 : i32
      %dma_start3A_300 = arith.constant 0 : i32
      %dma_start3A_301 = tpu.memref_slice %arg2[%add3A, %dma_start3A, %dma_start3A_300] : memref<32x80x128xi32, #tpu.memory_space<hbm>> -> memref<1x80x128xi32, #tpu.memory_space<hbm>>
      %dma_start3A_302 = tpu.memref_squeeze %dma_start3A_301 : memref<1x80x128xi32, #tpu.memory_space<hbm>> -> memref<80x128xi32, #tpu.memory_space<hbm>>
      %dma_start3A_303 = arith.constant 0 : i32
      %dma_start3A_304 = arith.constant 0 : i32
      %dma_start3A_305 = tpu.memref_slice %arg2[%add3A, %dma_start3A_303, %dma_start3A_304] : memref<32x80x128xi32, #tpu.memory_space<hbm>> -> memref<1x80x128xi32, #tpu.memory_space<hbm>>
      %dma_start3A_306 = tpu.memref_squeeze %dma_start3A_305 : memref<1x80x128xi32, #tpu.memory_space<hbm>> -> memref<80x128xi32, #tpu.memory_space<hbm>>
      tpu.enqueue_dma source(%dma_start3A_306 : memref<80x128xi32, #tpu.memory_space<hbm>>) target(%arg4 : memref<80x128xi32, #tpu.memory_space<vmem>>) target_semaphore(%run_scoped3A : memref<!tpu.dma_semaphore, #tpu.memory_space<semaphore_mem>>)
      %dma_wait3A = arith.constant 0 : i32
      %dma_wait3A_307 = arith.constant 0 : i32
      %dma_wait3A_308 = tpu.memref_slice %arg2[%add3A, %dma_wait3A, %dma_wait3A_307] : memref<32x80x128xi32, #tpu.memory_space<hbm>> -> memref<1x80x128xi32, #tpu.memory_space<hbm>>
      %dma_wait3A_309 = tpu.memref_squeeze %dma_wait3A_308 : memref<1x80x128xi32, #tpu.memory_space<hbm>> -> memref<80x128xi32, #tpu.memory_space<hbm>>
      %dma_wait3A_310 = arith.constant 0 : i32
      %dma_wait3A_311 = arith.constant 0 : i32
      %dma_wait3A_312 = tpu.memref_slice %arg2[%add3A, %dma_wait3A_310, %dma_wait3A_311] : memref<32x80x128xi32, #tpu.memory_space<hbm>> -> memref<1x80x128xi32, #tpu.memory_space<hbm>>
      %dma_wait3A_313 = tpu.memref_squeeze %dma_wait3A_312 : memref<1x80x128xi32, #tpu.memory_space<hbm>> -> memref<80x128xi32, #tpu.memory_space<hbm>>
      tpu.wait_dma2 semaphore(%run_scoped3A : memref<!tpu.dma_semaphore, #tpu.memory_space<semaphore_mem>>) src(%dma_wait3A_313 : memref<80x128xi32, #tpu.memory_space<hbm>>) dst(%arg4 : memref<80x128xi32, #tpu.memory_space<vmem>>)
      tpu.yield
    }) : () -> ()
    %barrier3A = arith.constant 0 : index
    tpu.barrier barrier_id(%barrier3A)
    %scan3A = arith.constant 0 : i32
    %scan3A_289 = arith.constant 0 : i32
    %scan3A_290 = arith.constant 10 : i32
    %scan3A_291 = arith.addi %scan3A_289, %scan3A_290 : i32
    %scan3A_292 = arith.constant 1 : i32
    %scan3A_293 = scf.for %scan3A_300 = %scan3A_289 to %scan3A_291 step %scan3A_292 iter_args(%scan3A_301 = %scan3A) -> (i32)  : i32 {
      %mul3A_302 = arith.constant 8 : i32
      %mul3A_303 = arith.muli %scan3A_300, %mul3A_302 : i32
      %add3A_304 = arith.constant 0 : i32
      %add3A_305 = arith.addi %mul3A_303, %add3A_304 : i32
      %dma_start3A = arith.constant 0 : i32
      %dma_start3A_306 = tpu.memref_slice %arg4[%add3A_305, %dma_start3A] : memref<80x128xi32, #tpu.memory_space<vmem>> -> memref<1x128xi32, #tpu.memory_space<vmem>>
      %dma_start3A_307 = tpu.memref_squeeze %dma_start3A_306 : memref<1x128xi32, #tpu.memory_space<vmem>> -> memref<128xi32, #tpu.memory_space<vmem>>
      %dma_start3A_308 = arith.constant 0 : i32
      %dma_start3A_309 = tpu.memref_slice %arg7[%dma_start3A_308] : memref<10240xf32, #tpu.memory_space<vmem_shared>> -> memref<10240xf32, #tpu.memory_space<vmem_shared>>
      tpu.enqueue_indirect_dma source(%arg5 : memref<128xf32, #tpu.memory_space<vmem>>) target(%dma_start3A_309 : memref<10240xf32, #tpu.memory_space<vmem_shared>>) offsets(%dma_start3A_307 : memref<128xi32, #tpu.memory_space<vmem>>) semaphore(%arg8 : memref<!tpu.dma_semaphore, #tpu.memory_space<semaphore_mem>>) {add = true}
      %mul3A_310 = arith.constant 8 : i32
      %mul3A_311 = arith.muli %scan3A_300, %mul3A_310 : i32
      %add3A_312 = arith.constant 1 : i32
      %add3A_313 = arith.addi %mul3A_311, %add3A_312 : i32
      %dma_start3A_314 = arith.constant 0 : i32
      %dma_start3A_315 = tpu.memref_slice %arg4[%add3A_313, %dma_start3A_314] : memref<80x128xi32, #tpu.memory_space<vmem>> -> memref<1x128xi32, #tpu.memory_space<vmem>>
      %dma_start3A_316 = tpu.memref_squeeze %dma_start3A_315 : memref<1x128xi32, #tpu.memory_space<vmem>> -> memref<128xi32, #tpu.memory_space<vmem>>
      %dma_start3A_317 = arith.constant 0 : i32
      %dma_start3A_318 = tpu.memref_slice %arg7[%dma_start3A_317] : memref<10240xf32, #tpu.memory_space<vmem_shared>> -> memref<10240xf32, #tpu.memory_space<vmem_shared>>
      tpu.enqueue_indirect_dma source(%arg5 : memref<128xf32, #tpu.memory_space<vmem>>) target(%dma_start3A_318 : memref<10240xf32, #tpu.memory_space<vmem_shared>>) offsets(%dma_start3A_316 : memref<128xi32, #tpu.memory_space<vmem>>) semaphore(%arg8 : memref<!tpu.dma_semaphore, #tpu.memory_space<semaphore_mem>>) {add = true}
      %mul3A_319 = arith.constant 8 : i32
      %mul3A_320 = arith.muli %scan3A_300, %mul3A_319 : i32
      %add3A_321 = arith.constant 2 : i32
      %add3A_322 = arith.addi %mul3A_320, %add3A_321 : i32
      %dma_start3A_323 = arith.constant 0 : i32
      %dma_start3A_324 = tpu.memref_slice %arg4[%add3A_322, %dma_start3A_323] : memref<80x128xi32, #tpu.memory_space<vmem>> -> memref<1x128xi32, #tpu.memory_space<vmem>>
      %dma_start3A_325 = tpu.memref_squeeze %dma_start3A_324 : memref<1x128xi32, #tpu.memory_space<vmem>> -> memref<128xi32, #tpu.memory_space<vmem>>
      %dma_start3A_326 = arith.constant 0 : i32
      %dma_start3A_327 = tpu.memref_slice %arg7[%dma_start3A_326] : memref<10240xf32, #tpu.memory_space<vmem_shared>> -> memref<10240xf32, #tpu.memory_space<vmem_shared>>
      tpu.enqueue_indirect_dma source(%arg5 : memref<128xf32, #tpu.memory_space<vmem>>) target(%dma_start3A_327 : memref<10240xf32, #tpu.memory_space<vmem_shared>>) offsets(%dma_start3A_325 : memref<128xi32, #tpu.memory_space<vmem>>) semaphore(%arg8 : memref<!tpu.dma_semaphore, #tpu.memory_space<semaphore_mem>>) {add = true}
      %mul3A_328 = arith.constant 8 : i32
      %mul3A_329 = arith.muli %scan3A_300, %mul3A_328 : i32
      %add3A_330 = arith.constant 3 : i32
      %add3A_331 = arith.addi %mul3A_329, %add3A_330 : i32
      %dma_start3A_332 = arith.constant 0 : i32
      %dma_start3A_333 = tpu.memref_slice %arg4[%add3A_331, %dma_start3A_332] : memref<80x128xi32, #tpu.memory_space<vmem>> -> memref<1x128xi32, #tpu.memory_space<vmem>>
      %dma_start3A_334 = tpu.memref_squeeze %dma_start3A_333 : memref<1x128xi32, #tpu.memory_space<vmem>> -> memref<128xi32, #tpu.memory_space<vmem>>
      %dma_start3A_335 = arith.constant 0 : i32
      %dma_start3A_336 = tpu.memref_slice %arg7[%dma_start3A_335] : memref<10240xf32, #tpu.memory_space<vmem_shared>> -> memref<10240xf32, #tpu.memory_space<vmem_shared>>
      tpu.enqueue_indirect_dma source(%arg5 : memref<128xf32, #tpu.memory_space<vmem>>) target(%dma_start3A_336 : memref<10240xf32, #tpu.memory_space<vmem_shared>>) offsets(%dma_start3A_334 : memref<128xi32, #tpu.memory_space<vmem>>) semaphore(%arg8 : memref<!tpu.dma_semaphore, #tpu.memory_space<semaphore_mem>>) {add = true}
      %mul3A_337 = arith.constant 8 : i32
      %mul3A_338 = arith.muli %scan3A_300, %mul3A_337 : i32
      %add3A_339 = arith.constant 4 : i32
      %add3A_340 = arith.addi %mul3A_338, %add3A_339 : i32
      %dma_start3A_341 = arith.constant 0 : i32
      %dma_start3A_342 = tpu.memref_slice %arg4[%add3A_340, %dma_start3A_341] : memref<80x128xi32, #tpu.memory_space<vmem>> -> memref<1x128xi32, #tpu.memory_space<vmem>>
      %dma_start3A_343 = tpu.memref_squeeze %dma_start3A_342 : memref<1x128xi32, #tpu.memory_space<vmem>> -> memref<128xi32, #tpu.memory_space<vmem>>
      %dma_start3A_344 = arith.constant 0 : i32
      %dma_start3A_345 = tpu.memref_slice %arg7[%dma_start3A_344] : memref<10240xf32, #tpu.memory_space<vmem_shared>> -> memref<10240xf32, #tpu.memory_space<vmem_shared>>
      tpu.enqueue_indirect_dma source(%arg5 : memref<128xf32, #tpu.memory_space<vmem>>) target(%dma_start3A_345 : memref<10240xf32, #tpu.memory_space<vmem_shared>>) offsets(%dma_start3A_343 : memref<128xi32, #tpu.memory_space<vmem>>) semaphore(%arg8 : memref<!tpu.dma_semaphore, #tpu.memory_space<semaphore_mem>>) {add = true}
      %mul3A_346 = arith.constant 8 : i32
      %mul3A_347 = arith.muli %scan3A_300, %mul3A_346 : i32
      %add3A_348 = arith.constant 5 : i32
      %add3A_349 = arith.addi %mul3A_347, %add3A_348 : i32
      %dma_start3A_350 = arith.constant 0 : i32
      %dma_start3A_351 = tpu.memref_slice %arg4[%add3A_349, %dma_start3A_350] : memref<80x128xi32, #tpu.memory_space<vmem>> -> memref<1x128xi32, #tpu.memory_space<vmem>>
      %dma_start3A_352 = tpu.memref_squeeze %dma_start3A_351 : memref<1x128xi32, #tpu.memory_space<vmem>> -> memref<128xi32, #tpu.memory_space<vmem>>
      %dma_start3A_353 = arith.constant 0 : i32
      %dma_start3A_354 = tpu.memref_slice %arg7[%dma_start3A_353] : memref<10240xf32, #tpu.memory_space<vmem_shared>> -> memref<10240xf32, #tpu.memory_space<vmem_shared>>
      tpu.enqueue_indirect_dma source(%arg5 : memref<128xf32, #tpu.memory_space<vmem>>) target(%dma_start3A_354 : memref<10240xf32, #tpu.memory_space<vmem_shared>>) offsets(%dma_start3A_352 : memref<128xi32, #tpu.memory_space<vmem>>) semaphore(%arg8 : memref<!tpu.dma_semaphore, #tpu.memory_space<semaphore_mem>>) {add = true}
      %mul3A_355 = arith.constant 8 : i32
      %mul3A_356 = arith.muli %scan3A_300, %mul3A_355 : i32
      %add3A_357 = arith.constant 6 : i32
      %add3A_358 = arith.addi %mul3A_356, %add3A_357 : i32
      %dma_start3A_359 = arith.constant 0 : i32
      %dma_start3A_360 = tpu.memref_slice %arg4[%add3A_358, %dma_start3A_359] : memref<80x128xi32, #tpu.memory_space<vmem>> -> memref<1x128xi32, #tpu.memory_space<vmem>>
      %dma_start3A_361 = tpu.memref_squeeze %dma_start3A_360 : memref<1x128xi32, #tpu.memory_space<vmem>> -> memref<128xi32, #tpu.memory_space<vmem>>
      %dma_start3A_362 = arith.constant 0 : i32
      %dma_start3A_363 = tpu.memref_slice %arg7[%dma_start3A_362] : memref<10240xf32, #tpu.memory_space<vmem_shared>> -> memref<10240xf32, #tpu.memory_space<vmem_shared>>
      tpu.enqueue_indirect_dma source(%arg5 : memref<128xf32, #tpu.memory_space<vmem>>) target(%dma_start3A_363 : memref<10240xf32, #tpu.memory_space<vmem_shared>>) offsets(%dma_start3A_361 : memref<128xi32, #tpu.memory_space<vmem>>) semaphore(%arg8 : memref<!tpu.dma_semaphore, #tpu.memory_space<semaphore_mem>>) {add = true}
      %mul3A_364 = arith.constant 8 : i32
      %mul3A_365 = arith.muli %scan3A_300, %mul3A_364 : i32
      %add3A_366 = arith.constant 7 : i32
      %add3A_367 = arith.addi %mul3A_365, %add3A_366 : i32
      %dma_start3A_368 = arith.constant 0 : i32
      %dma_start3A_369 = tpu.memref_slice %arg4[%add3A_367, %dma_start3A_368] : memref<80x128xi32, #tpu.memory_space<vmem>> -> memref<1x128xi32, #tpu.memory_space<vmem>>
      %dma_start3A_370 = tpu.memref_squeeze %dma_start3A_369 : memref<1x128xi32, #tpu.memory_space<vmem>> -> memref<128xi32, #tpu.memory_space<vmem>>
      %dma_start3A_371 = arith.constant 0 : i32
      %dma_start3A_372 = tpu.memref_slice %arg7[%dma_start3A_371] : memref<10240xf32, #tpu.memory_space<vmem_shared>> -> memref<10240xf32, #tpu.memory_space<vmem_shared>>
      tpu.enqueue_indirect_dma source(%arg5 : memref<128xf32, #tpu.memory_space<vmem>>) target(%dma_start3A_372 : memref<10240xf32, #tpu.memory_space<vmem_shared>>) offsets(%dma_start3A_370 : memref<128xi32, #tpu.memory_space<vmem>>) semaphore(%arg8 : memref<!tpu.dma_semaphore, #tpu.memory_space<semaphore_mem>>) {add = true}
      %mul3A_373 = arith.constant 8 : i32
      %mul3A_374 = arith.muli %scan3A_300, %mul3A_373 : i32
      %add3A_375 = arith.constant 0 : i32
      %add3A_376 = arith.addi %mul3A_374, %add3A_375 : i32
      %dma_wait3A = arith.constant 0 : i32
      %dma_wait3A_377 = tpu.memref_slice %arg4[%add3A_376, %dma_wait3A] : memref<80x128xi32, #tpu.memory_space<vmem>> -> memref<1x128xi32, #tpu.memory_space<vmem>>
      %dma_wait3A_378 = tpu.memref_squeeze %dma_wait3A_377 : memref<1x128xi32, #tpu.memory_space<vmem>> -> memref<128xi32, #tpu.memory_space<vmem>>
      %dma_wait3A_379 = arith.constant 0 : i32
      %dma_wait3A_380 = tpu.memref_slice %arg7[%dma_wait3A_379] : memref<10240xf32, #tpu.memory_space<vmem_shared>> -> memref<10240xf32, #tpu.memory_space<vmem_shared>>
      tpu.wait_indirect_dma semaphore(%arg8 : memref<!tpu.dma_semaphore, #tpu.memory_space<semaphore_mem>>) src(%arg5 : memref<128xf32, #tpu.memory_space<vmem>>) dst(%dma_wait3A_380 : memref<10240xf32, #tpu.memory_space<vmem_shared>>)
      %mul3A_381 = arith.constant 8 : i32
      %mul3A_382 = arith.muli %scan3A_300, %mul3A_381 : i32
      %add3A_383 = arith.constant 1 : i32
      %add3A_384 = arith.addi %mul3A_382, %add3A_383 : i32
      %dma_wait3A_385 = arith.constant 0 : i32
      %dma_wait3A_386 = tpu.memref_slice %arg4[%add3A_384, %dma_wait3A_385] : memref<80x128xi32, #tpu.memory_space<vmem>> -> memref<1x128xi32, #tpu.memory_space<vmem>>
      %dma_wait3A_387 = tpu.memref_squeeze %dma_wait3A_386 : memref<1x128xi32, #tpu.memory_space<vmem>> -> memref<128xi32, #tpu.memory_space<vmem>>
      %dma_wait3A_388 = arith.constant 0 : i32
      %dma_wait3A_389 = tpu.memref_slice %arg7[%dma_wait3A_388] : memref<10240xf32, #tpu.memory_space<vmem_shared>> -> memref<10240xf32, #tpu.memory_space<vmem_shared>>
      tpu.wait_indirect_dma semaphore(%arg8 : memref<!tpu.dma_semaphore, #tpu.memory_space<semaphore_mem>>) src(%arg5 : memref<128xf32, #tpu.memory_space<vmem>>) dst(%dma_wait3A_389 : memref<10240xf32, #tpu.memory_space<vmem_shared>>)
      %mul3A_390 = arith.constant 8 : i32
      %mul3A_391 = arith.muli %scan3A_300, %mul3A_390 : i32
      %add3A_392 = arith.constant 2 : i32
      %add3A_393 = arith.addi %mul3A_391, %add3A_392 : i32
      %dma_wait3A_394 = arith.constant 0 : i32
      %dma_wait3A_395 = tpu.memref_slice %arg4[%add3A_393, %dma_wait3A_394] : memref<80x128xi32, #tpu.memory_space<vmem>> -> memref<1x128xi32, #tpu.memory_space<vmem>>
      %dma_wait3A_396 = tpu.memref_squeeze %dma_wait3A_395 : memref<1x128xi32, #tpu.memory_space<vmem>> -> memref<128xi32, #tpu.memory_space<vmem>>
      %dma_wait3A_397 = arith.constant 0 : i32
      %dma_wait3A_398 = tpu.memref_slice %arg7[%dma_wait3A_397] : memref<10240xf32, #tpu.memory_space<vmem_shared>> -> memref<10240xf32, #tpu.memory_space<vmem_shared>>
      tpu.wait_indirect_dma semaphore(%arg8 : memref<!tpu.dma_semaphore, #tpu.memory_space<semaphore_mem>>) src(%arg5 : memref<128xf32, #tpu.memory_space<vmem>>) dst(%dma_wait3A_398 : memref<10240xf32, #tpu.memory_space<vmem_shared>>)
      %mul3A_399 = arith.constant 8 : i32
      %mul3A_400 = arith.muli %scan3A_300, %mul3A_399 : i32
      %add3A_401 = arith.constant 3 : i32
      %add3A_402 = arith.addi %mul3A_400, %add3A_401 : i32
      %dma_wait3A_403 = arith.constant 0 : i32
      %dma_wait3A_404 = tpu.memref_slice %arg4[%add3A_402, %dma_wait3A_403] : memref<80x128xi32, #tpu.memory_space<vmem>> -> memref<1x128xi32, #tpu.memory_space<vmem>>
      %dma_wait3A_405 = tpu.memref_squeeze %dma_wait3A_404 : memref<1x128xi32, #tpu.memory_space<vmem>> -> memref<128xi32, #tpu.memory_space<vmem>>
      %dma_wait3A_406 = arith.constant 0 : i32
      %dma_wait3A_407 = tpu.memref_slice %arg7[%dma_wait3A_406] : memref<10240xf32, #tpu.memory_space<vmem_shared>> -> memref<10240xf32, #tpu.memory_space<vmem_shared>>
      tpu.wait_indirect_dma semaphore(%arg8 : memref<!tpu.dma_semaphore, #tpu.memory_space<semaphore_mem>>) src(%arg5 : memref<128xf32, #tpu.memory_space<vmem>>) dst(%dma_wait3A_407 : memref<10240xf32, #tpu.memory_space<vmem_shared>>)
      %mul3A_408 = arith.constant 8 : i32
      %mul3A_409 = arith.muli %scan3A_300, %mul3A_408 : i32
      %add3A_410 = arith.constant 4 : i32
      %add3A_411 = arith.addi %mul3A_409, %add3A_410 : i32
      %dma_wait3A_412 = arith.constant 0 : i32
      %dma_wait3A_413 = tpu.memref_slice %arg4[%add3A_411, %dma_wait3A_412] : memref<80x128xi32, #tpu.memory_space<vmem>> -> memref<1x128xi32, #tpu.memory_space<vmem>>
      %dma_wait3A_414 = tpu.memref_squeeze %dma_wait3A_413 : memref<1x128xi32, #tpu.memory_space<vmem>> -> memref<128xi32, #tpu.memory_space<vmem>>
      %dma_wait3A_415 = arith.constant 0 : i32
      %dma_wait3A_416 = tpu.memref_slice %arg7[%dma_wait3A_415] : memref<10240xf32, #tpu.memory_space<vmem_shared>> -> memref<10240xf32, #tpu.memory_space<vmem_shared>>
      tpu.wait_indirect_dma semaphore(%arg8 : memref<!tpu.dma_semaphore, #tpu.memory_space<semaphore_mem>>) src(%arg5 : memref<128xf32, #tpu.memory_space<vmem>>) dst(%dma_wait3A_416 : memref<10240xf32, #tpu.memory_space<vmem_shared>>)
      %mul3A_417 = arith.constant 8 : i32
      %mul3A_418 = arith.muli %scan3A_300, %mul3A_417 : i32
      %add3A_419 = arith.constant 5 : i32
      %add3A_420 = arith.addi %mul3A_418, %add3A_419 : i32
      %dma_wait3A_421 = arith.constant 0 : i32
      %dma_wait3A_422 = tpu.memref_slice %arg4[%add3A_420, %dma_wait3A_421] : memref<80x128xi32, #tpu.memory_space<vmem>> -> memref<1x128xi32, #tpu.memory_space<vmem>>
      %dma_wait3A_423 = tpu.memref_squeeze %dma_wait3A_422 : memref<1x128xi32, #tpu.memory_space<vmem>> -> memref<128xi32, #tpu.memory_space<vmem>>
      %dma_wait3A_424 = arith.constant 0 : i32
      %dma_wait3A_425 = tpu.memref_slice %arg7[%dma_wait3A_424] : memref<10240xf32, #tpu.memory_space<vmem_shared>> -> memref<10240xf32, #tpu.memory_space<vmem_shared>>
      tpu.wait_indirect_dma semaphore(%arg8 : memref<!tpu.dma_semaphore, #tpu.memory_space<semaphore_mem>>) src(%arg5 : memref<128xf32, #tpu.memory_space<vmem>>) dst(%dma_wait3A_425 : memref<10240xf32, #tpu.memory_space<vmem_shared>>)
      %mul3A_426 = arith.constant 8 : i32
      %mul3A_427 = arith.muli %scan3A_300, %mul3A_426 : i32
      %add3A_428 = arith.constant 6 : i32
      %add3A_429 = arith.addi %mul3A_427, %add3A_428 : i32
      %dma_wait3A_430 = arith.constant 0 : i32
      %dma_wait3A_431 = tpu.memref_slice %arg4[%add3A_429, %dma_wait3A_430] : memref<80x128xi32, #tpu.memory_space<vmem>> -> memref<1x128xi32, #tpu.memory_space<vmem>>
      %dma_wait3A_432 = tpu.memref_squeeze %dma_wait3A_431 : memref<1x128xi32, #tpu.memory_space<vmem>> -> memref<128xi32, #tpu.memory_space<vmem>>
      %dma_wait3A_433 = arith.constant 0 : i32
      %dma_wait3A_434 = tpu.memref_slice %arg7[%dma_wait3A_433] : memref<10240xf32, #tpu.memory_space<vmem_shared>> -> memref<10240xf32, #tpu.memory_space<vmem_shared>>
      tpu.wait_indirect_dma semaphore(%arg8 : memref<!tpu.dma_semaphore, #tpu.memory_space<semaphore_mem>>) src(%arg5 : memref<128xf32, #tpu.memory_space<vmem>>) dst(%dma_wait3A_434 : memref<10240xf32, #tpu.memory_space<vmem_shared>>)
      %mul3A_435 = arith.constant 8 : i32
      %mul3A_436 = arith.muli %scan3A_300, %mul3A_435 : i32
      %add3A_437 = arith.constant 7 : i32
      %add3A_438 = arith.addi %mul3A_436, %add3A_437 : i32
      %dma_wait3A_439 = arith.constant 0 : i32
      %dma_wait3A_440 = tpu.memref_slice %arg4[%add3A_438, %dma_wait3A_439] : memref<80x128xi32, #tpu.memory_space<vmem>> -> memref<1x128xi32, #tpu.memory_space<vmem>>
      %dma_wait3A_441 = tpu.memref_squeeze %dma_wait3A_440 : memref<1x128xi32, #tpu.memory_space<vmem>> -> memref<128xi32, #tpu.memory_space<vmem>>
      %dma_wait3A_442 = arith.constant 0 : i32
      %dma_wait3A_443 = tpu.memref_slice %arg7[%dma_wait3A_442] : memref<10240xf32, #tpu.memory_space<vmem_shared>> -> memref<10240xf32, #tpu.memory_space<vmem_shared>>
      tpu.wait_indirect_dma semaphore(%arg8 : memref<!tpu.dma_semaphore, #tpu.memory_space<semaphore_mem>>) src(%arg5 : memref<128xf32, #tpu.memory_space<vmem>>) dst(%dma_wait3A_443 : memref<10240xf32, #tpu.memory_space<vmem_shared>>)
      %scan3A_444 = arith.constant 0 : i32
      scf.yield %scan3A_444 : i32
    }
    %scan3A_294 = arith.constant 10 : i32
    %barrier3A_295 = arith.constant 0 : index
    tpu.barrier barrier_id(%barrier3A_295)
    %mul3A_296 = arith.constant 640 : i32
    %mul3A_297 = arith.muli %arg1, %mul3A_296 : i32
    %mul3A_298 = arith.constant 640 : i32
    %mul3A_299 = arith.muli %arg1, %mul3A_298 : i32
    "tpu.region"() ({
      %run_scoped3A = tpu.sem_alloc : memref<!tpu.dma_semaphore, #tpu.memory_space<semaphore_mem>>
      %dma_start3A = tpu.memref_slice %arg3[%arg0, %mul3A_299] : memref<2x10240xf32, #tpu.memory_space<hbm>> -> memref<1x640xf32, #tpu.memory_space<hbm>>
      %dma_start3A_300 = tpu.memref_squeeze %dma_start3A : memref<1x640xf32, #tpu.memory_space<hbm>> -> memref<640xf32, #tpu.memory_space<hbm>>
      %dma_start3A_301 = tpu.memref_slice %arg7[%mul3A_297] : memref<10240xf32, #tpu.memory_space<vmem_shared>> -> memref<640xf32, #tpu.memory_space<vmem_shared>>
      tpu.enqueue_dma source(%dma_start3A_301 : memref<640xf32, #tpu.memory_space<vmem_shared>>) target(%dma_start3A_300 : memref<640xf32, #tpu.memory_space<hbm>>) target_semaphore(%run_scoped3A : memref<!tpu.dma_semaphore, #tpu.memory_space<semaphore_mem>>)
      %dma_wait3A = tpu.memref_slice %arg3[%arg0, %mul3A_299] : memref<2x10240xf32, #tpu.memory_space<hbm>> -> memref<1x640xf32, #tpu.memory_space<hbm>>
      %dma_wait3A_302 = tpu.memref_squeeze %dma_wait3A : memref<1x640xf32, #tpu.memory_space<hbm>> -> memref<640xf32, #tpu.memory_space<hbm>>
      %dma_wait3A_303 = tpu.memref_slice %arg7[%mul3A_297] : memref<10240xf32, #tpu.memory_space<vmem_shared>> -> memref<640xf32, #tpu.memory_space<vmem_shared>>
      tpu.wait_dma2 semaphore(%run_scoped3A : memref<!tpu.dma_semaphore, #tpu.memory_space<semaphore_mem>>) src(%dma_wait3A_303 : memref<640xf32, #tpu.memory_space<vmem_shared>>) dst(%dma_wait3A_302 : memref<640xf32, #tpu.memory_space<hbm>>)
      tpu.yield
    }) : () -> ()
    return
  }
}

#map = affine_map<(d0, d1) -> (0, 0, 0)>
#map1 = affine_map<(d0, d1) -> (0, 0)>
module attributes {stable_mosaic.version = 14 : i64} {
  func.func @_sc_scatter(%arg0: i32, %arg1: i32, %arg2: memref<32x80x128xi32, #tpu.memory_space<hbm>>, %arg3: memref<32x80x128xi32, #tpu.memory_space<hbm>>, %arg4: memref<10000x128xf32, #tpu.memory_space<hbm>>, %arg5: memref<640x128xf32, #tpu.memory_space<hbm>>, %arg6: memref<2x10240x128xf32, #tpu.memory_space<hbm>>, %arg7: memref<40x128xi32, #tpu.memory_space<vmem>>, %arg8: memref<40x128xi32, #tpu.memory_space<vmem>>, %arg9: memref<128x128xf32, #tpu.memory_space<vmem>>, %arg10: memref<128x128xf32, #tpu.memory_space<vmem>>, %arg11: memref<10240x128xf32, #tpu.memory_space<vmem_shared>>, %arg12: memref<!tpu.dma_semaphore, #tpu.memory_space<semaphore_mem>>, %arg13: memref<!tpu.dma_semaphore, #tpu.memory_space<semaphore_mem>>, %arg14: memref<!tpu.dma_semaphore, #tpu.memory_space<semaphore_mem>>, %arg15: memref<!tpu.dma_semaphore, #tpu.memory_space<semaphore_mem>>) attributes {dimension_semantics = [#tpu.dimension_semantics<core_parallel>, #tpu.dimension_semantics<subcore_parallel>], iteration_bounds = array<i64: 2, 16>, scalar_prefetch = 0 : i64, scratch_operands = 9 : i64, tpu.core_type = #tpu.core_type<sc_vector_subcore>, window_params = [{transform_indices = #map}, {transform_indices = #map}, {transform_indices = #map1}, {transform_indices = #map1}, {transform_indices = #map}]} {
    %mul3A = arith.constant 2 : i32
    %mul3A_0 = arith.muli %arg1, %mul3A : i32
    %add3A = arith.addi %mul3A_0, %arg0 : i32
    "tpu.region"() ({
      %run_scoped3A = tpu.sem_alloc : memref<!tpu.dma_semaphore, #tpu.memory_space<semaphore_mem>>
      %dma_start3A_61 = arith.constant 0 : i32
      %dma_start3A_62 = arith.constant 0 : i32
      %dma_start3A_63 = tpu.memref_slice %arg2[%add3A, %dma_start3A_61, %dma_start3A_62] : memref<32x80x128xi32, #tpu.memory_space<hbm>> -> memref<1x40x128xi32, #tpu.memory_space<hbm>>
      %dma_start3A_64 = tpu.memref_squeeze %dma_start3A_63 : memref<1x40x128xi32, #tpu.memory_space<hbm>> -> memref<40x128xi32, #tpu.memory_space<hbm>>
      %dma_start3A_65 = arith.constant 0 : i32
      %dma_start3A_66 = arith.constant 0 : i32
      %dma_start3A_67 = tpu.memref_slice %arg2[%add3A, %dma_start3A_65, %dma_start3A_66] : memref<32x80x128xi32, #tpu.memory_space<hbm>> -> memref<1x40x128xi32, #tpu.memory_space<hbm>>
      %dma_start3A_68 = tpu.memref_squeeze %dma_start3A_67 : memref<1x40x128xi32, #tpu.memory_space<hbm>> -> memref<40x128xi32, #tpu.memory_space<hbm>>
      tpu.enqueue_dma source(%dma_start3A_68 : memref<40x128xi32, #tpu.memory_space<hbm>>) target(%arg7 : memref<40x128xi32, #tpu.memory_space<vmem>>) target_semaphore(%run_scoped3A : memref<!tpu.dma_semaphore, #tpu.memory_space<semaphore_mem>>)
      %dma_wait3A_69 = arith.constant 0 : i32
      %dma_wait3A_70 = arith.constant 0 : i32
      %dma_wait3A_71 = tpu.memref_slice %arg2[%add3A, %dma_wait3A_69, %dma_wait3A_70] : memref<32x80x128xi32, #tpu.memory_space<hbm>> -> memref<1x40x128xi32, #tpu.memory_space<hbm>>
      %dma_wait3A_72 = tpu.memref_squeeze %dma_wait3A_71 : memref<1x40x128xi32, #tpu.memory_space<hbm>> -> memref<40x128xi32, #tpu.memory_space<hbm>>
      %dma_wait3A_73 = arith.constant 0 : i32
      %dma_wait3A_74 = arith.constant 0 : i32
      %dma_wait3A_75 = tpu.memref_slice %arg2[%add3A, %dma_wait3A_73, %dma_wait3A_74] : memref<32x80x128xi32, #tpu.memory_space<hbm>> -> memref<1x40x128xi32, #tpu.memory_space<hbm>>
      %dma_wait3A_76 = tpu.memref_squeeze %dma_wait3A_75 : memref<1x40x128xi32, #tpu.memory_space<hbm>> -> memref<40x128xi32, #tpu.memory_space<hbm>>
      tpu.wait_dma2 semaphore(%run_scoped3A : memref<!tpu.dma_semaphore, #tpu.memory_space<semaphore_mem>>) src(%dma_wait3A_76 : memref<40x128xi32, #tpu.memory_space<hbm>>) dst(%arg7 : memref<40x128xi32, #tpu.memory_space<vmem>>)
      tpu.yield
    }) : () -> ()
    "tpu.region"() ({
      %run_scoped3A = tpu.sem_alloc : memref<!tpu.dma_semaphore, #tpu.memory_space<semaphore_mem>>
      %dma_start3A_61 = arith.constant 0 : i32
      %dma_start3A_62 = arith.constant 0 : i32
      %dma_start3A_63 = tpu.memref_slice %arg3[%add3A, %dma_start3A_61, %dma_start3A_62] : memref<32x80x128xi32, #tpu.memory_space<hbm>> -> memref<1x40x128xi32, #tpu.memory_space<hbm>>
      %dma_start3A_64 = tpu.memref_squeeze %dma_start3A_63 : memref<1x40x128xi32, #tpu.memory_space<hbm>> -> memref<40x128xi32, #tpu.memory_space<hbm>>
      %dma_start3A_65 = arith.constant 0 : i32
      %dma_start3A_66 = arith.constant 0 : i32
      %dma_start3A_67 = tpu.memref_slice %arg3[%add3A, %dma_start3A_65, %dma_start3A_66] : memref<32x80x128xi32, #tpu.memory_space<hbm>> -> memref<1x40x128xi32, #tpu.memory_space<hbm>>
      %dma_start3A_68 = tpu.memref_squeeze %dma_start3A_67 : memref<1x40x128xi32, #tpu.memory_space<hbm>> -> memref<40x128xi32, #tpu.memory_space<hbm>>
      tpu.enqueue_dma source(%dma_start3A_68 : memref<40x128xi32, #tpu.memory_space<hbm>>) target(%arg8 : memref<40x128xi32, #tpu.memory_space<vmem>>) target_semaphore(%run_scoped3A : memref<!tpu.dma_semaphore, #tpu.memory_space<semaphore_mem>>)
      %dma_wait3A_69 = arith.constant 0 : i32
      %dma_wait3A_70 = arith.constant 0 : i32
      %dma_wait3A_71 = tpu.memref_slice %arg3[%add3A, %dma_wait3A_69, %dma_wait3A_70] : memref<32x80x128xi32, #tpu.memory_space<hbm>> -> memref<1x40x128xi32, #tpu.memory_space<hbm>>
      %dma_wait3A_72 = tpu.memref_squeeze %dma_wait3A_71 : memref<1x40x128xi32, #tpu.memory_space<hbm>> -> memref<40x128xi32, #tpu.memory_space<hbm>>
      %dma_wait3A_73 = arith.constant 0 : i32
      %dma_wait3A_74 = arith.constant 0 : i32
      %dma_wait3A_75 = tpu.memref_slice %arg3[%add3A, %dma_wait3A_73, %dma_wait3A_74] : memref<32x80x128xi32, #tpu.memory_space<hbm>> -> memref<1x40x128xi32, #tpu.memory_space<hbm>>
      %dma_wait3A_76 = tpu.memref_squeeze %dma_wait3A_75 : memref<1x40x128xi32, #tpu.memory_space<hbm>> -> memref<40x128xi32, #tpu.memory_space<hbm>>
      tpu.wait_dma2 semaphore(%run_scoped3A : memref<!tpu.dma_semaphore, #tpu.memory_space<semaphore_mem>>) src(%dma_wait3A_76 : memref<40x128xi32, #tpu.memory_space<hbm>>) dst(%arg8 : memref<40x128xi32, #tpu.memory_space<vmem>>)
      tpu.yield
    }) : () -> ()
    %dma_start3A = arith.constant 0 : i32
    %dma_start3A_1 = arith.constant 0 : i32
    %dma_start3A_2 = tpu.memref_slice %arg7[%dma_start3A, %dma_start3A_1] : memref<40x128xi32, #tpu.memory_space<vmem>> -> memref<1x128xi32, #tpu.memory_space<vmem>>
    %dma_start3A_3 = tpu.memref_squeeze %dma_start3A_2 : memref<1x128xi32, #tpu.memory_space<vmem>> -> memref<128xi32, #tpu.memory_space<vmem>>
    %dma_start3A_4 = arith.constant 0 : i32
    %dma_start3A_5 = arith.constant 0 : i32
    %dma_start3A_6 = tpu.memref_slice %arg4[%dma_start3A_4, %dma_start3A_5] : memref<10000x128xf32, #tpu.memory_space<hbm>> -> memref<10000x128xf32, #tpu.memory_space<hbm>>
    tpu.enqueue_indirect_dma source(%dma_start3A_6 : memref<10000x128xf32, #tpu.memory_space<hbm>>) target(%arg9 : memref<128x128xf32, #tpu.memory_space<vmem>>) offsets(%dma_start3A_3 : memref<128xi32, #tpu.memory_space<vmem>>) semaphore(%arg12 : memref<!tpu.dma_semaphore, #tpu.memory_space<semaphore_mem>>)
    %mul3A_7 = arith.constant 640 : i32
    %mul3A_8 = arith.muli %arg1, %mul3A_7 : i32
    "tpu.region"() ({
      %run_scoped3A = tpu.sem_alloc : memref<!tpu.dma_semaphore, #tpu.memory_space<semaphore_mem>>
      %dma_start3A_61 = arith.constant 0 : i32
      %dma_start3A_62 = tpu.memref_slice %arg11[%mul3A_8, %dma_start3A_61] : memref<10240x128xf32, #tpu.memory_space<vmem_shared>> -> memref<640x128xf32, #tpu.memory_space<vmem_shared>>
      tpu.enqueue_dma source(%arg5 : memref<640x128xf32, #tpu.memory_space<hbm>>) target(%dma_start3A_62 : memref<640x128xf32, #tpu.memory_space<vmem_shared>>) target_semaphore(%run_scoped3A : memref<!tpu.dma_semaphore, #tpu.memory_space<semaphore_mem>>)
      %dma_wait3A_63 = arith.constant 0 : i32
      %dma_wait3A_64 = tpu.memref_slice %arg11[%mul3A_8, %dma_wait3A_63] : memref<10240x128xf32, #tpu.memory_space<vmem_shared>> -> memref<640x128xf32, #tpu.memory_space<vmem_shared>>
      tpu.wait_dma2 semaphore(%run_scoped3A : memref<!tpu.dma_semaphore, #tpu.memory_space<semaphore_mem>>) src(%arg5 : memref<640x128xf32, #tpu.memory_space<hbm>>) dst(%dma_wait3A_64 : memref<640x128xf32, #tpu.memory_space<vmem_shared>>)
      tpu.yield
    }) : () -> ()
    %barrier3A = arith.constant 0 : index
    tpu.barrier barrier_id(%barrier3A)
    %scan3A = arith.constant 0 : i32
    %scan3A_9 = arith.constant 0 : i32
    %scan3A_10 = arith.constant 20 : i32
    %scan3A_11 = arith.addi %scan3A_9, %scan3A_10 : i32
    %scan3A_12 = arith.constant 1 : i32
    %scan3A_13 = scf.for %scan3A_61 = %scan3A_9 to %scan3A_11 step %scan3A_12 iter_args(%scan3A_62 = %scan3A) -> (i32)  : i32 {
      %mul3A_63 = arith.constant 2 : i32
      %mul3A_64 = arith.muli %mul3A_63, %scan3A_61 : i32
      %add3A_65 = arith.constant 1 : i32
      %add3A_66 = arith.addi %mul3A_64, %add3A_65 : i32
      %dma_wait3A_67 = arith.constant 0 : i32
      %dma_wait3A_68 = tpu.memref_slice %arg7[%mul3A_64, %dma_wait3A_67] : memref<40x128xi32, #tpu.memory_space<vmem>> -> memref<1x128xi32, #tpu.memory_space<vmem>>
      %dma_wait3A_69 = tpu.memref_squeeze %dma_wait3A_68 : memref<1x128xi32, #tpu.memory_space<vmem>> -> memref<128xi32, #tpu.memory_space<vmem>>
      %dma_wait3A_70 = arith.constant 0 : i32
      %dma_wait3A_71 = arith.constant 0 : i32
      %dma_wait3A_72 = tpu.memref_slice %arg4[%dma_wait3A_70, %dma_wait3A_71] : memref<10000x128xf32, #tpu.memory_space<hbm>> -> memref<10000x128xf32, #tpu.memory_space<hbm>>
      tpu.wait_indirect_dma semaphore(%arg12 : memref<!tpu.dma_semaphore, #tpu.memory_space<semaphore_mem>>) src(%dma_wait3A_72 : memref<10000x128xf32, #tpu.memory_space<hbm>>) dst(%arg9 : memref<128x128xf32, #tpu.memory_space<vmem>>)
      %gt3A = arith.constant 0 : i32
      %gt3A_73 = arith.cmpi sgt, %scan3A_61, %gt3A : i32
      %convert_element_type3A = arith.extui %gt3A_73 : i1 to i32
      %cond3A = arith.constant 0 : i32
      %cond3A_74 = arith.cmpi ne, %convert_element_type3A, %cond3A : i32
      scf.if %cond3A_74 {
        %sub3A = arith.constant 2 : i32
        %sub3A_115 = arith.subi %add3A_66, %sub3A : i32
        %dma_wait3A_116 = arith.constant 0 : i32
        %dma_wait3A_117 = tpu.memref_slice %arg8[%sub3A_115, %dma_wait3A_116] : memref<40x128xi32, #tpu.memory_space<vmem>> -> memref<1x128xi32, #tpu.memory_space<vmem>>
        %dma_wait3A_118 = tpu.memref_squeeze %dma_wait3A_117 : memref<1x128xi32, #tpu.memory_space<vmem>> -> memref<128xi32, #tpu.memory_space<vmem>>
        %dma_wait3A_119 = arith.constant 0 : i32
        %dma_wait3A_120 = arith.constant 0 : i32
        %dma_wait3A_121 = tpu.memref_slice %arg11[%dma_wait3A_119, %dma_wait3A_120] : memref<10240x128xf32, #tpu.memory_space<vmem_shared>> -> memref<10240x128xf32, #tpu.memory_space<vmem_shared>>
        tpu.wait_indirect_dma semaphore(%arg15 : memref<!tpu.dma_semaphore, #tpu.memory_space<semaphore_mem>>) src(%arg10 : memref<128x128xf32, #tpu.memory_space<vmem>>) dst(%dma_wait3A_121 : memref<10240x128xf32, #tpu.memory_space<vmem_shared>>)
      } else {
      }
      %dma_start3A_75 = arith.constant 0 : i32
      %dma_start3A_76 = tpu.memref_slice %arg7[%add3A_66, %dma_start3A_75] : memref<40x128xi32, #tpu.memory_space<vmem>> -> memref<1x128xi32, #tpu.memory_space<vmem>>
      %dma_start3A_77 = tpu.memref_squeeze %dma_start3A_76 : memref<1x128xi32, #tpu.memory_space<vmem>> -> memref<128xi32, #tpu.memory_space<vmem>>
      %dma_start3A_78 = arith.constant 0 : i32
      %dma_start3A_79 = arith.constant 0 : i32
      %dma_start3A_80 = tpu.memref_slice %arg4[%dma_start3A_78, %dma_start3A_79] : memref<10000x128xf32, #tpu.memory_space<hbm>> -> memref<10000x128xf32, #tpu.memory_space<hbm>>
      tpu.enqueue_indirect_dma source(%dma_start3A_80 : memref<10000x128xf32, #tpu.memory_space<hbm>>) target(%arg10 : memref<128x128xf32, #tpu.memory_space<vmem>>) offsets(%dma_start3A_77 : memref<128xi32, #tpu.memory_space<vmem>>) semaphore(%arg13 : memref<!tpu.dma_semaphore, #tpu.memory_space<semaphore_mem>>)
      %dma_start3A_81 = arith.constant 0 : i32
      %dma_start3A_82 = tpu.memref_slice %arg8[%mul3A_64, %dma_start3A_81] : memref<40x128xi32, #tpu.memory_space<vmem>> -> memref<1x128xi32, #tpu.memory_space<vmem>>
      %dma_start3A_83 = tpu.memref_squeeze %dma_start3A_82 : memref<1x128xi32, #tpu.memory_space<vmem>> -> memref<128xi32, #tpu.memory_space<vmem>>
      %dma_start3A_84 = arith.constant 0 : i32
      %dma_start3A_85 = arith.constant 0 : i32
      %dma_start3A_86 = tpu.memref_slice %arg11[%dma_start3A_84, %dma_start3A_85] : memref<10240x128xf32, #tpu.memory_space<vmem_shared>> -> memref<10240x128xf32, #tpu.memory_space<vmem_shared>>
      tpu.enqueue_indirect_dma source(%arg9 : memref<128x128xf32, #tpu.memory_space<vmem>>) target(%dma_start3A_86 : memref<10240x128xf32, #tpu.memory_space<vmem_shared>>) offsets(%dma_start3A_83 : memref<128xi32, #tpu.memory_space<vmem>>) semaphore(%arg14 : memref<!tpu.dma_semaphore, #tpu.memory_space<semaphore_mem>>) {add = true}
      %dma_wait3A_87 = arith.constant 0 : i32
      %dma_wait3A_88 = tpu.memref_slice %arg7[%add3A_66, %dma_wait3A_87] : memref<40x128xi32, #tpu.memory_space<vmem>> -> memref<1x128xi32, #tpu.memory_space<vmem>>
      %dma_wait3A_89 = tpu.memref_squeeze %dma_wait3A_88 : memref<1x128xi32, #tpu.memory_space<vmem>> -> memref<128xi32, #tpu.memory_space<vmem>>
      %dma_wait3A_90 = arith.constant 0 : i32
      %dma_wait3A_91 = arith.constant 0 : i32
      %dma_wait3A_92 = tpu.memref_slice %arg4[%dma_wait3A_90, %dma_wait3A_91] : memref<10000x128xf32, #tpu.memory_space<hbm>> -> memref<10000x128xf32, #tpu.memory_space<hbm>>
      tpu.wait_indirect_dma semaphore(%arg13 : memref<!tpu.dma_semaphore, #tpu.memory_space<semaphore_mem>>) src(%dma_wait3A_92 : memref<10000x128xf32, #tpu.memory_space<hbm>>) dst(%arg10 : memref<128x128xf32, #tpu.memory_space<vmem>>)
      %dma_wait3A_93 = arith.constant 0 : i32
      %dma_wait3A_94 = tpu.memref_slice %arg8[%mul3A_64, %dma_wait3A_93] : memref<40x128xi32, #tpu.memory_space<vmem>> -> memref<1x128xi32, #tpu.memory_space<vmem>>
      %dma_wait3A_95 = tpu.memref_squeeze %dma_wait3A_94 : memref<1x128xi32, #tpu.memory_space<vmem>> -> memref<128xi32, #tpu.memory_space<vmem>>
      %dma_wait3A_96 = arith.constant 0 : i32
      %dma_wait3A_97 = arith.constant 0 : i32
      %dma_wait3A_98 = tpu.memref_slice %arg11[%dma_wait3A_96, %dma_wait3A_97] : memref<10240x128xf32, #tpu.memory_space<vmem_shared>> -> memref<10240x128xf32, #tpu.memory_space<vmem_shared>>
      tpu.wait_indirect_dma semaphore(%arg14 : memref<!tpu.dma_semaphore, #tpu.memory_space<semaphore_mem>>) src(%arg9 : memref<128x128xf32, #tpu.memory_space<vmem>>) dst(%dma_wait3A_98 : memref<10240x128xf32, #tpu.memory_space<vmem_shared>>)
      %add3A_99 = arith.constant 2 : i32
      %add3A_100 = arith.addi %mul3A_64, %add3A_99 : i32
      %min3A = arith.constant 39 : i32
      %min3A_101 = arith.minsi %add3A_100, %min3A : i32
      %dma_start3A_102 = arith.constant 0 : i32
      %dma_start3A_103 = tpu.memref_slice %arg7[%min3A_101, %dma_start3A_102] : memref<40x128xi32, #tpu.memory_space<vmem>> -> memref<1x128xi32, #tpu.memory_space<vmem>>
      %dma_start3A_104 = tpu.memref_squeeze %dma_start3A_103 : memref<1x128xi32, #tpu.memory_space<vmem>> -> memref<128xi32, #tpu.memory_space<vmem>>
      %dma_start3A_105 = arith.constant 0 : i32
      %dma_start3A_106 = arith.constant 0 : i32
      %dma_start3A_107 = tpu.memref_slice %arg4[%dma_start3A_105, %dma_start3A_106] : memref<10000x128xf32, #tpu.memory_space<hbm>> -> memref<10000x128xf32, #tpu.memory_space<hbm>>
      tpu.enqueue_indirect_dma source(%dma_start3A_107 : memref<10000x128xf32, #tpu.memory_space<hbm>>) target(%arg9 : memref<128x128xf32, #tpu.memory_space<vmem>>) offsets(%dma_start3A_104 : memref<128xi32, #tpu.memory_space<vmem>>) semaphore(%arg12 : memref<!tpu.dma_semaphore, #tpu.memory_space<semaphore_mem>>)
      %dma_start3A_108 = arith.constant 0 : i32
      %dma_start3A_109 = tpu.memref_slice %arg8[%add3A_66, %dma_start3A_108] : memref<40x128xi32, #tpu.memory_space<vmem>> -> memref<1x128xi32, #tpu.memory_space<vmem>>
      %dma_start3A_110 = tpu.memref_squeeze %dma_start3A_109 : memref<1x128xi32, #tpu.memory_space<vmem>> -> memref<128xi32, #tpu.memory_space<vmem>>
      %dma_start3A_111 = arith.constant 0 : i32
      %dma_start3A_112 = arith.constant 0 : i32
      %dma_start3A_113 = tpu.memref_slice %arg11[%dma_start3A_111, %dma_start3A_112] : memref<10240x128xf32, #tpu.memory_space<vmem_shared>> -> memref<10240x128xf32, #tpu.memory_space<vmem_shared>>
      tpu.enqueue_indirect_dma source(%arg10 : memref<128x128xf32, #tpu.memory_space<vmem>>) target(%dma_start3A_113 : memref<10240x128xf32, #tpu.memory_space<vmem_shared>>) offsets(%dma_start3A_110 : memref<128xi32, #tpu.memory_space<vmem>>) semaphore(%arg15 : memref<!tpu.dma_semaphore, #tpu.memory_space<semaphore_mem>>) {add = true}
      %scan3A_114 = arith.constant 0 : i32
      scf.yield %scan3A_114 : i32
    }
    %scan3A_14 = arith.constant 20 : i32
    %dma_wait3A = arith.constant 39 : i32
    %dma_wait3A_15 = arith.constant 0 : i32
    %dma_wait3A_16 = tpu.memref_slice %arg8[%dma_wait3A, %dma_wait3A_15] : memref<40x128xi32, #tpu.memory_space<vmem>> -> memref<1x128xi32, #tpu.memory_space<vmem>>
    %dma_wait3A_17 = tpu.memref_squeeze %dma_wait3A_16 : memref<1x128xi32, #tpu.memory_space<vmem>> -> memref<128xi32, #tpu.memory_space<vmem>>
    %dma_wait3A_18 = arith.constant 0 : i32
    %dma_wait3A_19 = arith.constant 0 : i32
    %dma_wait3A_20 = tpu.memref_slice %arg11[%dma_wait3A_18, %dma_wait3A_19] : memref<10240x128xf32, #tpu.memory_space<vmem_shared>> -> memref<10240x128xf32, #tpu.memory_space<vmem_shared>>
    tpu.wait_indirect_dma semaphore(%arg15 : memref<!tpu.dma_semaphore, #tpu.memory_space<semaphore_mem>>) src(%arg10 : memref<128x128xf32, #tpu.memory_space<vmem>>) dst(%dma_wait3A_20 : memref<10240x128xf32, #tpu.memory_space<vmem_shared>>)
    %dma_wait3A_21 = arith.constant 39 : i32
    %dma_wait3A_22 = arith.constant 0 : i32
    %dma_wait3A_23 = tpu.memref_slice %arg7[%dma_wait3A_21, %dma_wait3A_22] : memref<40x128xi32, #tpu.memory_space<vmem>> -> memref<1x128xi32, #tpu.memory_space<vmem>>
    %dma_wait3A_24 = tpu.memref_squeeze %dma_wait3A_23 : memref<1x128xi32, #tpu.memory_space<vmem>> -> memref<128xi32, #tpu.memory_space<vmem>>
    %dma_wait3A_25 = arith.constant 0 : i32
    %dma_wait3A_26 = arith.constant 0 : i32
    %dma_wait3A_27 = tpu.memref_slice %arg4[%dma_wait3A_25, %dma_wait3A_26] : memref<10000x128xf32, #tpu.memory_space<hbm>> -> memref<10000x128xf32, #tpu.memory_space<hbm>>
    tpu.wait_indirect_dma semaphore(%arg12 : memref<!tpu.dma_semaphore, #tpu.memory_space<semaphore_mem>>) src(%dma_wait3A_27 : memref<10000x128xf32, #tpu.memory_space<hbm>>) dst(%arg9 : memref<128x128xf32, #tpu.memory_space<vmem>>)
    "tpu.region"() ({
      %run_scoped3A = tpu.sem_alloc : memref<!tpu.dma_semaphore, #tpu.memory_space<semaphore_mem>>
      %dma_start3A_61 = arith.constant 40 : i32
      %dma_start3A_62 = arith.constant 0 : i32
      %dma_start3A_63 = tpu.memref_slice %arg2[%add3A, %dma_start3A_61, %dma_start3A_62] : memref<32x80x128xi32, #tpu.memory_space<hbm>> -> memref<1x40x128xi32, #tpu.memory_space<hbm>>
      %dma_start3A_64 = tpu.memref_squeeze %dma_start3A_63 : memref<1x40x128xi32, #tpu.memory_space<hbm>> -> memref<40x128xi32, #tpu.memory_space<hbm>>
      %dma_start3A_65 = arith.constant 40 : i32
      %dma_start3A_66 = arith.constant 0 : i32
      %dma_start3A_67 = tpu.memref_slice %arg2[%add3A, %dma_start3A_65, %dma_start3A_66] : memref<32x80x128xi32, #tpu.memory_space<hbm>> -> memref<1x40x128xi32, #tpu.memory_space<hbm>>
      %dma_start3A_68 = tpu.memref_squeeze %dma_start3A_67 : memref<1x40x128xi32, #tpu.memory_space<hbm>> -> memref<40x128xi32, #tpu.memory_space<hbm>>
      tpu.enqueue_dma source(%dma_start3A_68 : memref<40x128xi32, #tpu.memory_space<hbm>>) target(%arg7 : memref<40x128xi32, #tpu.memory_space<vmem>>) target_semaphore(%run_scoped3A : memref<!tpu.dma_semaphore, #tpu.memory_space<semaphore_mem>>)
      %dma_wait3A_69 = arith.constant 40 : i32
      %dma_wait3A_70 = arith.constant 0 : i32
      %dma_wait3A_71 = tpu.memref_slice %arg2[%add3A, %dma_wait3A_69, %dma_wait3A_70] : memref<32x80x128xi32, #tpu.memory_space<hbm>> -> memref<1x40x128xi32, #tpu.memory_space<hbm>>
      %dma_wait3A_72 = tpu.memref_squeeze %dma_wait3A_71 : memref<1x40x128xi32, #tpu.memory_space<hbm>> -> memref<40x128xi32, #tpu.memory_space<hbm>>
      %dma_wait3A_73 = arith.constant 40 : i32
      %dma_wait3A_74 = arith.constant 0 : i32
      %dma_wait3A_75 = tpu.memref_slice %arg2[%add3A, %dma_wait3A_73, %dma_wait3A_74] : memref<32x80x128xi32, #tpu.memory_space<hbm>> -> memref<1x40x128xi32, #tpu.memory_space<hbm>>
      %dma_wait3A_76 = tpu.memref_squeeze %dma_wait3A_75 : memref<1x40x128xi32, #tpu.memory_space<hbm>> -> memref<40x128xi32, #tpu.memory_space<hbm>>
      tpu.wait_dma2 semaphore(%run_scoped3A : memref<!tpu.dma_semaphore, #tpu.memory_space<semaphore_mem>>) src(%dma_wait3A_76 : memref<40x128xi32, #tpu.memory_space<hbm>>) dst(%arg7 : memref<40x128xi32, #tpu.memory_space<vmem>>)
      tpu.yield
    }) : () -> ()
    "tpu.region"() ({
      %run_scoped3A = tpu.sem_alloc : memref<!tpu.dma_semaphore, #tpu.memory_space<semaphore_mem>>
      %dma_start3A_61 = arith.constant 40 : i32
      %dma_start3A_62 = arith.constant 0 : i32
      %dma_start3A_63 = tpu.memref_slice %arg3[%add3A, %dma_start3A_61, %dma_start3A_62] : memref<32x80x128xi32, #tpu.memory_space<hbm>> -> memref<1x40x128xi32, #tpu.memory_space<hbm>>
      %dma_start3A_64 = tpu.memref_squeeze %dma_start3A_63 : memref<1x40x128xi32, #tpu.memory_space<hbm>> -> memref<40x128xi32, #tpu.memory_space<hbm>>
      %dma_start3A_65 = arith.constant 40 : i32
      %dma_start3A_66 = arith.constant 0 : i32
      %dma_start3A_67 = tpu.memref_slice %arg3[%add3A, %dma_start3A_65, %dma_start3A_66] : memref<32x80x128xi32, #tpu.memory_space<hbm>> -> memref<1x40x128xi32, #tpu.memory_space<hbm>>
      %dma_start3A_68 = tpu.memref_squeeze %dma_start3A_67 : memref<1x40x128xi32, #tpu.memory_space<hbm>> -> memref<40x128xi32, #tpu.memory_space<hbm>>
      tpu.enqueue_dma source(%dma_start3A_68 : memref<40x128xi32, #tpu.memory_space<hbm>>) target(%arg8 : memref<40x128xi32, #tpu.memory_space<vmem>>) target_semaphore(%run_scoped3A : memref<!tpu.dma_semaphore, #tpu.memory_space<semaphore_mem>>)
      %dma_wait3A_69 = arith.constant 40 : i32
      %dma_wait3A_70 = arith.constant 0 : i32
      %dma_wait3A_71 = tpu.memref_slice %arg3[%add3A, %dma_wait3A_69, %dma_wait3A_70] : memref<32x80x128xi32, #tpu.memory_space<hbm>> -> memref<1x40x128xi32, #tpu.memory_space<hbm>>
      %dma_wait3A_72 = tpu.memref_squeeze %dma_wait3A_71 : memref<1x40x128xi32, #tpu.memory_space<hbm>> -> memref<40x128xi32, #tpu.memory_space<hbm>>
      %dma_wait3A_73 = arith.constant 40 : i32
      %dma_wait3A_74 = arith.constant 0 : i32
      %dma_wait3A_75 = tpu.memref_slice %arg3[%add3A, %dma_wait3A_73, %dma_wait3A_74] : memref<32x80x128xi32, #tpu.memory_space<hbm>> -> memref<1x40x128xi32, #tpu.memory_space<hbm>>
      %dma_wait3A_76 = tpu.memref_squeeze %dma_wait3A_75 : memref<1x40x128xi32, #tpu.memory_space<hbm>> -> memref<40x128xi32, #tpu.memory_space<hbm>>
      tpu.wait_dma2 semaphore(%run_scoped3A : memref<!tpu.dma_semaphore, #tpu.memory_space<semaphore_mem>>) src(%dma_wait3A_76 : memref<40x128xi32, #tpu.memory_space<hbm>>) dst(%arg8 : memref<40x128xi32, #tpu.memory_space<vmem>>)
      tpu.yield
    }) : () -> ()
    %dma_start3A_28 = arith.constant 0 : i32
    %dma_start3A_29 = arith.constant 0 : i32
    %dma_start3A_30 = tpu.memref_slice %arg7[%dma_start3A_28, %dma_start3A_29] : memref<40x128xi32, #tpu.memory_space<vmem>> -> memref<1x128xi32, #tpu.memory_space<vmem>>
    %dma_start3A_31 = tpu.memref_squeeze %dma_start3A_30 : memref<1x128xi32, #tpu.memory_space<vmem>> -> memref<128xi32, #tpu.memory_space<vmem>>
    %dma_start3A_32 = arith.constant 0 : i32
    %dma_start3A_33 = arith.constant 0 : i32
    %dma_start3A_34 = tpu.memref_slice %arg4[%dma_start3A_32, %dma_start3A_33] : memref<10000x128xf32, #tpu.memory_space<hbm>> -> memref<10000x128xf32, #tpu.memory_space<hbm>>
    tpu.enqueue_indirect_dma source(%dma_start3A_34 : memref<10000x128xf32, #tpu.memory_space<hbm>>) target(%arg9 : memref<128x128xf32, #tpu.memory_space<vmem>>) offsets(%dma_start3A_31 : memref<128xi32, #tpu.memory_space<vmem>>) semaphore(%arg12 : memref<!tpu.dma_semaphore, #tpu.memory_space<semaphore_mem>>)
    %scan3A_35 = arith.constant 0 : i32
    %scan3A_36 = arith.constant 0 : i32
    %scan3A_37 = arith.constant 20 : i32
    %scan3A_38 = arith.addi %scan3A_36, %scan3A_37 : i32
    %scan3A_39 = arith.constant 1 : i32
    %scan3A_40 = scf.for %scan3A_61 = %scan3A_36 to %scan3A_38 step %scan3A_39 iter_args(%scan3A_62 = %scan3A_35) -> (i32)  : i32 {
      %mul3A_63 = arith.constant 2 : i32
      %mul3A_64 = arith.muli %mul3A_63, %scan3A_61 : i32
      %add3A_65 = arith.constant 1 : i32
      %add3A_66 = arith.addi %mul3A_64, %add3A_65 : i32
      %dma_wait3A_67 = arith.constant 0 : i32
      %dma_wait3A_68 = tpu.memref_slice %arg7[%mul3A_64, %dma_wait3A_67] : memref<40x128xi32, #tpu.memory_space<vmem>> -> memref<1x128xi32, #tpu.memory_space<vmem>>
      %dma_wait3A_69 = tpu.memref_squeeze %dma_wait3A_68 : memref<1x128xi32, #tpu.memory_space<vmem>> -> memref<128xi32, #tpu.memory_space<vmem>>
      %dma_wait3A_70 = arith.constant 0 : i32
      %dma_wait3A_71 = arith.constant 0 : i32
      %dma_wait3A_72 = tpu.memref_slice %arg4[%dma_wait3A_70, %dma_wait3A_71] : memref<10000x128xf32, #tpu.memory_space<hbm>> -> memref<10000x128xf32, #tpu.memory_space<hbm>>
      tpu.wait_indirect_dma semaphore(%arg12 : memref<!tpu.dma_semaphore, #tpu.memory_space<semaphore_mem>>) src(%dma_wait3A_72 : memref<10000x128xf32, #tpu.memory_space<hbm>>) dst(%arg9 : memref<128x128xf32, #tpu.memory_space<vmem>>)
      %gt3A = arith.constant 0 : i32
      %gt3A_73 = arith.cmpi sgt, %scan3A_61, %gt3A : i32
      %convert_element_type3A = arith.extui %gt3A_73 : i1 to i32
      %cond3A = arith.constant 0 : i32
      %cond3A_74 = arith.cmpi ne, %convert_element_type3A, %cond3A : i32
      scf.if %cond3A_74 {
        %sub3A = arith.constant 2 : i32
        %sub3A_115 = arith.subi %add3A_66, %sub3A : i32
        %dma_wait3A_116 = arith.constant 0 : i32
        %dma_wait3A_117 = tpu.memref_slice %arg8[%sub3A_115, %dma_wait3A_116] : memref<40x128xi32, #tpu.memory_space<vmem>> -> memref<1x128xi32, #tpu.memory_space<vmem>>
        %dma_wait3A_118 = tpu.memref_squeeze %dma_wait3A_117 : memref<1x128xi32, #tpu.memory_space<vmem>> -> memref<128xi32, #tpu.memory_space<vmem>>
        %dma_wait3A_119 = arith.constant 0 : i32
        %dma_wait3A_120 = arith.constant 0 : i32
        %dma_wait3A_121 = tpu.memref_slice %arg11[%dma_wait3A_119, %dma_wait3A_120] : memref<10240x128xf32, #tpu.memory_space<vmem_shared>> -> memref<10240x128xf32, #tpu.memory_space<vmem_shared>>
        tpu.wait_indirect_dma semaphore(%arg15 : memref<!tpu.dma_semaphore, #tpu.memory_space<semaphore_mem>>) src(%arg10 : memref<128x128xf32, #tpu.memory_space<vmem>>) dst(%dma_wait3A_121 : memref<10240x128xf32, #tpu.memory_space<vmem_shared>>)
      } else {
      }
      %dma_start3A_75 = arith.constant 0 : i32
      %dma_start3A_76 = tpu.memref_slice %arg7[%add3A_66, %dma_start3A_75] : memref<40x128xi32, #tpu.memory_space<vmem>> -> memref<1x128xi32, #tpu.memory_space<vmem>>
      %dma_start3A_77 = tpu.memref_squeeze %dma_start3A_76 : memref<1x128xi32, #tpu.memory_space<vmem>> -> memref<128xi32, #tpu.memory_space<vmem>>
      %dma_start3A_78 = arith.constant 0 : i32
      %dma_start3A_79 = arith.constant 0 : i32
      %dma_start3A_80 = tpu.memref_slice %arg4[%dma_start3A_78, %dma_start3A_79] : memref<10000x128xf32, #tpu.memory_space<hbm>> -> memref<10000x128xf32, #tpu.memory_space<hbm>>
      tpu.enqueue_indirect_dma source(%dma_start3A_80 : memref<10000x128xf32, #tpu.memory_space<hbm>>) target(%arg10 : memref<128x128xf32, #tpu.memory_space<vmem>>) offsets(%dma_start3A_77 : memref<128xi32, #tpu.memory_space<vmem>>) semaphore(%arg13 : memref<!tpu.dma_semaphore, #tpu.memory_space<semaphore_mem>>)
      %dma_start3A_81 = arith.constant 0 : i32
      %dma_start3A_82 = tpu.memref_slice %arg8[%mul3A_64, %dma_start3A_81] : memref<40x128xi32, #tpu.memory_space<vmem>> -> memref<1x128xi32, #tpu.memory_space<vmem>>
      %dma_start3A_83 = tpu.memref_squeeze %dma_start3A_82 : memref<1x128xi32, #tpu.memory_space<vmem>> -> memref<128xi32, #tpu.memory_space<vmem>>
      %dma_start3A_84 = arith.constant 0 : i32
      %dma_start3A_85 = arith.constant 0 : i32
      %dma_start3A_86 = tpu.memref_slice %arg11[%dma_start3A_84, %dma_start3A_85] : memref<10240x128xf32, #tpu.memory_space<vmem_shared>> -> memref<10240x128xf32, #tpu.memory_space<vmem_shared>>
      tpu.enqueue_indirect_dma source(%arg9 : memref<128x128xf32, #tpu.memory_space<vmem>>) target(%dma_start3A_86 : memref<10240x128xf32, #tpu.memory_space<vmem_shared>>) offsets(%dma_start3A_83 : memref<128xi32, #tpu.memory_space<vmem>>) semaphore(%arg14 : memref<!tpu.dma_semaphore, #tpu.memory_space<semaphore_mem>>) {add = true}
      %dma_wait3A_87 = arith.constant 0 : i32
      %dma_wait3A_88 = tpu.memref_slice %arg7[%add3A_66, %dma_wait3A_87] : memref<40x128xi32, #tpu.memory_space<vmem>> -> memref<1x128xi32, #tpu.memory_space<vmem>>
      %dma_wait3A_89 = tpu.memref_squeeze %dma_wait3A_88 : memref<1x128xi32, #tpu.memory_space<vmem>> -> memref<128xi32, #tpu.memory_space<vmem>>
      %dma_wait3A_90 = arith.constant 0 : i32
      %dma_wait3A_91 = arith.constant 0 : i32
      %dma_wait3A_92 = tpu.memref_slice %arg4[%dma_wait3A_90, %dma_wait3A_91] : memref<10000x128xf32, #tpu.memory_space<hbm>> -> memref<10000x128xf32, #tpu.memory_space<hbm>>
      tpu.wait_indirect_dma semaphore(%arg13 : memref<!tpu.dma_semaphore, #tpu.memory_space<semaphore_mem>>) src(%dma_wait3A_92 : memref<10000x128xf32, #tpu.memory_space<hbm>>) dst(%arg10 : memref<128x128xf32, #tpu.memory_space<vmem>>)
      %dma_wait3A_93 = arith.constant 0 : i32
      %dma_wait3A_94 = tpu.memref_slice %arg8[%mul3A_64, %dma_wait3A_93] : memref<40x128xi32, #tpu.memory_space<vmem>> -> memref<1x128xi32, #tpu.memory_space<vmem>>
      %dma_wait3A_95 = tpu.memref_squeeze %dma_wait3A_94 : memref<1x128xi32, #tpu.memory_space<vmem>> -> memref<128xi32, #tpu.memory_space<vmem>>
      %dma_wait3A_96 = arith.constant 0 : i32
      %dma_wait3A_97 = arith.constant 0 : i32
      %dma_wait3A_98 = tpu.memref_slice %arg11[%dma_wait3A_96, %dma_wait3A_97] : memref<10240x128xf32, #tpu.memory_space<vmem_shared>> -> memref<10240x128xf32, #tpu.memory_space<vmem_shared>>
      tpu.wait_indirect_dma semaphore(%arg14 : memref<!tpu.dma_semaphore, #tpu.memory_space<semaphore_mem>>) src(%arg9 : memref<128x128xf32, #tpu.memory_space<vmem>>) dst(%dma_wait3A_98 : memref<10240x128xf32, #tpu.memory_space<vmem_shared>>)
      %add3A_99 = arith.constant 2 : i32
      %add3A_100 = arith.addi %mul3A_64, %add3A_99 : i32
      %min3A = arith.constant 39 : i32
      %min3A_101 = arith.minsi %add3A_100, %min3A : i32
      %dma_start3A_102 = arith.constant 0 : i32
      %dma_start3A_103 = tpu.memref_slice %arg7[%min3A_101, %dma_start3A_102] : memref<40x128xi32, #tpu.memory_space<vmem>> -> memref<1x128xi32, #tpu.memory_space<vmem>>
      %dma_start3A_104 = tpu.memref_squeeze %dma_start3A_103 : memref<1x128xi32, #tpu.memory_space<vmem>> -> memref<128xi32, #tpu.memory_space<vmem>>
      %dma_start3A_105 = arith.constant 0 : i32
      %dma_start3A_106 = arith.constant 0 : i32
      %dma_start3A_107 = tpu.memref_slice %arg4[%dma_start3A_105, %dma_start3A_106] : memref<10000x128xf32, #tpu.memory_space<hbm>> -> memref<10000x128xf32, #tpu.memory_space<hbm>>
      tpu.enqueue_indirect_dma source(%dma_start3A_107 : memref<10000x128xf32, #tpu.memory_space<hbm>>) target(%arg9 : memref<128x128xf32, #tpu.memory_space<vmem>>) offsets(%dma_start3A_104 : memref<128xi32, #tpu.memory_space<vmem>>) semaphore(%arg12 : memref<!tpu.dma_semaphore, #tpu.memory_space<semaphore_mem>>)
      %dma_start3A_108 = arith.constant 0 : i32
      %dma_start3A_109 = tpu.memref_slice %arg8[%add3A_66, %dma_start3A_108] : memref<40x128xi32, #tpu.memory_space<vmem>> -> memref<1x128xi32, #tpu.memory_space<vmem>>
      %dma_start3A_110 = tpu.memref_squeeze %dma_start3A_109 : memref<1x128xi32, #tpu.memory_space<vmem>> -> memref<128xi32, #tpu.memory_space<vmem>>
      %dma_start3A_111 = arith.constant 0 : i32
      %dma_start3A_112 = arith.constant 0 : i32
      %dma_start3A_113 = tpu.memref_slice %arg11[%dma_start3A_111, %dma_start3A_112] : memref<10240x128xf32, #tpu.memory_space<vmem_shared>> -> memref<10240x128xf32, #tpu.memory_space<vmem_shared>>
      tpu.enqueue_indirect_dma source(%arg10 : memref<128x128xf32, #tpu.memory_space<vmem>>) target(%dma_start3A_113 : memref<10240x128xf32, #tpu.memory_space<vmem_shared>>) offsets(%dma_start3A_110 : memref<128xi32, #tpu.memory_space<vmem>>) semaphore(%arg15 : memref<!tpu.dma_semaphore, #tpu.memory_space<semaphore_mem>>) {add = true}
      %scan3A_114 = arith.constant 0 : i32
      scf.yield %scan3A_114 : i32
    }
    %scan3A_41 = arith.constant 20 : i32
    %dma_wait3A_42 = arith.constant 39 : i32
    %dma_wait3A_43 = arith.constant 0 : i32
    %dma_wait3A_44 = tpu.memref_slice %arg8[%dma_wait3A_42, %dma_wait3A_43] : memref<40x128xi32, #tpu.memory_space<vmem>> -> memref<1x128xi32, #tpu.memory_space<vmem>>
    %dma_wait3A_45 = tpu.memref_squeeze %dma_wait3A_44 : memref<1x128xi32, #tpu.memory_space<vmem>> -> memref<128xi32, #tpu.memory_space<vmem>>
    %dma_wait3A_46 = arith.constant 0 : i32
    %dma_wait3A_47 = arith.constant 0 : i32
    %dma_wait3A_48 = tpu.memref_slice %arg11[%dma_wait3A_46, %dma_wait3A_47] : memref<10240x128xf32, #tpu.memory_space<vmem_shared>> -> memref<10240x128xf32, #tpu.memory_space<vmem_shared>>
    tpu.wait_indirect_dma semaphore(%arg15 : memref<!tpu.dma_semaphore, #tpu.memory_space<semaphore_mem>>) src(%arg10 : memref<128x128xf32, #tpu.memory_space<vmem>>) dst(%dma_wait3A_48 : memref<10240x128xf32, #tpu.memory_space<vmem_shared>>)
    %dma_wait3A_49 = arith.constant 39 : i32
    %dma_wait3A_50 = arith.constant 0 : i32
    %dma_wait3A_51 = tpu.memref_slice %arg7[%dma_wait3A_49, %dma_wait3A_50] : memref<40x128xi32, #tpu.memory_space<vmem>> -> memref<1x128xi32, #tpu.memory_space<vmem>>
    %dma_wait3A_52 = tpu.memref_squeeze %dma_wait3A_51 : memref<1x128xi32, #tpu.memory_space<vmem>> -> memref<128xi32, #tpu.memory_space<vmem>>
    %dma_wait3A_53 = arith.constant 0 : i32
    %dma_wait3A_54 = arith.constant 0 : i32
    %dma_wait3A_55 = tpu.memref_slice %arg4[%dma_wait3A_53, %dma_wait3A_54] : memref<10000x128xf32, #tpu.memory_space<hbm>> -> memref<10000x128xf32, #tpu.memory_space<hbm>>
    tpu.wait_indirect_dma semaphore(%arg12 : memref<!tpu.dma_semaphore, #tpu.memory_space<semaphore_mem>>) src(%dma_wait3A_55 : memref<10000x128xf32, #tpu.memory_space<hbm>>) dst(%arg9 : memref<128x128xf32, #tpu.memory_space<vmem>>)
    %barrier3A_56 = arith.constant 0 : index
    tpu.barrier barrier_id(%barrier3A_56)
    %mul3A_57 = arith.constant 640 : i32
    %mul3A_58 = arith.muli %arg1, %mul3A_57 : i32
    %mul3A_59 = arith.constant 640 : i32
    %mul3A_60 = arith.muli %arg1, %mul3A_59 : i32
    "tpu.region"() ({
      %run_scoped3A = tpu.sem_alloc : memref<!tpu.dma_semaphore, #tpu.memory_space<semaphore_mem>>
      %dma_start3A_61 = arith.constant 0 : i32
      %dma_start3A_62 = tpu.memref_slice %arg6[%arg0, %mul3A_60, %dma_start3A_61] : memref<2x10240x128xf32, #tpu.memory_space<hbm>> -> memref<1x640x128xf32, #tpu.memory_space<hbm>>
      %dma_start3A_63 = tpu.memref_squeeze %dma_start3A_62 : memref<1x640x128xf32, #tpu.memory_space<hbm>> -> memref<640x128xf32, #tpu.memory_space<hbm>>
      %dma_start3A_64 = arith.constant 0 : i32
      %dma_start3A_65 = tpu.memref_slice %arg11[%mul3A_58, %dma_start3A_64] : memref<10240x128xf32, #tpu.memory_space<vmem_shared>> -> memref<640x128xf32, #tpu.memory_space<vmem_shared>>
      tpu.enqueue_dma source(%dma_start3A_65 : memref<640x128xf32, #tpu.memory_space<vmem_shared>>) target(%dma_start3A_63 : memref<640x128xf32, #tpu.memory_space<hbm>>) target_semaphore(%run_scoped3A : memref<!tpu.dma_semaphore, #tpu.memory_space<semaphore_mem>>)
      %dma_wait3A_66 = arith.constant 0 : i32
      %dma_wait3A_67 = tpu.memref_slice %arg6[%arg0, %mul3A_60, %dma_wait3A_66] : memref<2x10240x128xf32, #tpu.memory_space<hbm>> -> memref<1x640x128xf32, #tpu.memory_space<hbm>>
      %dma_wait3A_68 = tpu.memref_squeeze %dma_wait3A_67 : memref<1x640x128xf32, #tpu.memory_space<hbm>> -> memref<640x128xf32, #tpu.memory_space<hbm>>
      %dma_wait3A_69 = arith.constant 0 : i32
      %dma_wait3A_70 = tpu.memref_slice %arg11[%mul3A_58, %dma_wait3A_69] : memref<10240x128xf32, #tpu.memory_space<vmem_shared>> -> memref<640x128xf32, #tpu.memory_space<vmem_shared>>
      tpu.wait_dma2 semaphore(%run_scoped3A : memref<!tpu.dma_semaphore, #tpu.memory_space<semaphore_mem>>) src(%dma_wait3A_70 : memref<640x128xf32, #tpu.memory_space<vmem_shared>>) dst(%dma_wait3A_68 : memref<640x128xf32, #tpu.memory_space<hbm>>)
      tpu.yield
    }) : () -> ()
    return
  }
}

module attributes {stable_mosaic.version = 14 : i64} {
  func.func @_tc_scale_body(%arg0: i32, %arg1: memref<1024x128xf32, #tpu.memory_space<vmem>>, %arg2: memref<128x128xf32, #tpu.memory_space<vmem>>, %arg3: memref<2x8x128xf32, #tpu.memory_space<vmem>>, %arg4: memref<1024x128xf32, #tpu.memory_space<vmem>>, %arg5: memref<1024x128xf32, #tpu.memory_space<vmem>>) attributes {dimension_semantics = [#tpu.dimension_semantics<arbitrary>], iteration_bounds = array<i64: 10>, scalar_prefetch = 0 : i64, scratch_operands = 0 : i64, tpu.core_type = #tpu.core_type<tc>, window_params = [{transform_indices = @transform_0, window_bounds = array<i64: 1024, 128>}, {pipeline_mode = #tpu.pipeline_mode<synchronous>, transform_indices = @transform_1, window_bounds = array<i64: 128, 128>}, {transform_indices = @transform_2, window_bounds = array<i64: 2, 8, 128>}, {pipeline_mode = #tpu.pipeline_mode<synchronous>, transform_indices = @transform_3, window_bounds = array<i64: 1024, 128>}, {transform_indices = @transform_4, window_bounds = array<i64: 1024, 128>}]} {
    %get3A = arith.constant 0 : index
    %get3A_0 = arith.constant 0 : index
    %get3A_1 = vector.load %arg1[%get3A, %get3A_0] : memref<1024x128xf32, #tpu.memory_space<vmem>>, vector<1024x128xf32>
    %get3A_2 = arith.constant 0 : index
    %get3A_3 = arith.constant 0 : index
    %get3A_4 = vector.load %arg2[%get3A_2, %get3A_3] : memref<128x128xf32, #tpu.memory_space<vmem>>, vector<128x128xf32>
    %dot_general3A = arith.constant dense<0.000000e+00> : vector<1024x128xf32>
    %dot_general3A_5 = tpu.matmul %get3A_1, %get3A_4, %dot_general3A {dimension_numbers = #tpu.dot_dimension_numbers<[1], [0], [0], [1], [0, 0, 1, 1], [], []>, transpose_lhs_hint = false} : vector<1024x128xf32>, vector<128x128xf32>, vector<1024x128xf32> -> vector<1024x128xf32>
    %get3A_6 = arith.constant 0 : index
    %get3A_7 = arith.constant 0 : index
    %get3A_8 = arith.constant 0 : index
    %get3A_9 = vector.load %arg3[%get3A_6, %get3A_7, %get3A_8] : memref<2x8x128xf32, #tpu.memory_space<vmem>>, vector<1x8x128xf32>
    %get3A_10 = vector.shape_cast %get3A_9 : vector<1x8x128xf32> to vector<8x128xf32>
    %get3A_11 = arith.constant 1 : index
    %get3A_12 = arith.constant 0 : index
    %get3A_13 = arith.constant 0 : index
    %get3A_14 = vector.load %arg3[%get3A_11, %get3A_12, %get3A_13] : memref<2x8x128xf32, #tpu.memory_space<vmem>>, vector<1x8x128xf32>
    %get3A_15 = vector.shape_cast %get3A_14 : vector<1x8x128xf32> to vector<8x128xf32>
    %add3A = arith.addf %get3A_10, %get3A_15 : vector<8x128xf32>
    %add3A_16 = arith.constant 1.000000e+00 : f32
    %add3A_17 = vector.broadcast %add3A_16 : f32 to vector<8x128xf32>
    %add3A_18 = arith.addf %add3A, %add3A_17 : vector<8x128xf32>
    %rsqrt3A = math.rsqrt %add3A_18 : vector<8x128xf32>
    %broadcast_in_dim3A = vector.shape_cast %rsqrt3A : vector<8x128xf32> to vector<8x1x128xf32>
    %broadcast_in_dim3A_19 = vector.shape_cast %broadcast_in_dim3A : vector<8x1x128xf32> to vector<8x1x128xf32>
    %broadcast_in_dim3A_20 = vector.broadcast %broadcast_in_dim3A_19 : vector<8x1x128xf32> to vector<8x128x128xf32>
    %reshape3A = vector.shape_cast %broadcast_in_dim3A_20 : vector<8x128x128xf32> to vector<1024x128xf32>
    %get3A_21 = arith.constant 0 : index
    %get3A_22 = arith.constant 0 : index
    %get3A_23 = vector.load %arg4[%get3A_21, %get3A_22] : memref<1024x128xf32, #tpu.memory_space<vmem>>, vector<1024x128xf32>
    %mul3A = arith.mulf %reshape3A, %get3A_23 : vector<1024x128xf32>
    %convert_element_type3A = arith.truncf %mul3A : vector<1024x128xf32> to vector<1024x128xbf16>
    %convert_element_type3A_24 = arith.extf %convert_element_type3A : vector<1024x128xbf16> to vector<1024x128xf32>
    %sub3A = arith.subf %mul3A, %convert_element_type3A_24 : vector<1024x128xf32>
    %broadcast_in_dim3A_25 = arith.constant 1.000000e+00 : f32
    %broadcast_in_dim3A_26 = vector.broadcast %broadcast_in_dim3A_25 : f32 to vector<128x128xf32>
    %dot_general3A_27 = arith.constant dense<0.000000e+00> : vector<1024x128xf32>
    %dot_general3A_28 = tpu.matmul %convert_element_type3A_24, %broadcast_in_dim3A_26, %dot_general3A_27 {dimension_numbers = #tpu.dot_dimension_numbers<[1], [0], [0], [1], [0, 0, 1, 1], [], []>, transpose_lhs_hint = false} : vector<1024x128xf32>, vector<128x128xf32>, vector<1024x128xf32> -> vector<1024x128xf32>
    %dot_general3A_29 = arith.constant dense<0.000000e+00> : vector<1024x128xf32>
    %dot_general3A_30 = tpu.matmul %sub3A, %broadcast_in_dim3A_26, %dot_general3A_29 {dimension_numbers = #tpu.dot_dimension_numbers<[1], [0], [0], [1], [0, 0, 1, 1], [], []>, transpose_lhs_hint = false} : vector<1024x128xf32>, vector<128x128xf32>, vector<1024x128xf32> -> vector<1024x128xf32>
    %add3A_31 = arith.addf %dot_general3A_28, %dot_general3A_30 : vector<1024x128xf32>
    %mul3A_32 = arith.mulf %dot_general3A_5, %add3A_31 : vector<1024x128xf32>
    %swap3A = arith.constant 0 : index
    %swap3A_33 = arith.constant 0 : index
    %swap3A_34 = vector.load %arg5[%swap3A, %swap3A_33] : memref<1024x128xf32, #tpu.memory_space<vmem>>, vector<1024x128xf32>
    tpu.vector_store %arg5[%swap3A, %swap3A_33], %mul3A_32 {strides = array<i32>} : memref<1024x128xf32, #tpu.memory_space<vmem>>, vector<1024x128xf32>,
    return
  }
  func.func @transform_0(%arg0: i32) -> (i32, i32) {
    %c0_i32 = arith.constant 0 : i32
    %c0_i32_0 = arith.constant 0 : i32
    return %arg0, %c0_i32 : i32, i32
  }
  func.func @transform_1(%arg0: i32) -> (i32, i32) {
    %c0_i32 = arith.constant 0 : i32
    %c0_i32_0 = arith.constant 0 : i32
    %c0_i32_1 = arith.constant 0 : i32
    return %c0_i32, %c0_i32_0 : i32, i32
  }
  func.func @transform_2(%arg0: i32) -> (i32, i32, i32) {
    %c0_i32 = arith.constant 0 : i32
    %c0_i32_0 = arith.constant 0 : i32
    %c0_i32_1 = arith.constant 0 : i32
    return %c0_i32, %arg0, %c0_i32_0 : i32, i32, i32
  }
  func.func @transform_3(%arg0: i32) -> (i32, i32) {
    %c0_i32 = arith.constant 0 : i32
    %c0_i32_0 = arith.constant 0 : i32
    %c0_i32_1 = arith.constant 0 : i32
    return %c0_i32, %c0_i32_0 : i32, i32
  }
  func.func @transform_4(%arg0: i32) -> (i32, i32) {
    %c0_i32 = arith.constant 0 : i32
    %c0_i32_0 = arith.constant 0 : i32
    return %arg0, %c0_i32 : i32, i32
  }
}

module attributes {stable_mosaic.version = 14 : i64} {
  func.func @_tc_combine_body(%arg0: i32, %arg1: memref<1x1024x128xf32, #tpu.memory_space<vmem>>, %arg2: memref<1x1024x128xf32, #tpu.memory_space<vmem>>, %arg3: memref<1024x128xf32, #tpu.memory_space<vmem>>, %arg4: memref<2x8x128xf32, #tpu.memory_space<vmem>>, %arg5: memref<1024x128xf32, #tpu.memory_space<vmem>>, %arg6: memref<1x128xf32, #tpu.memory_space<vmem>>, %arg7: memref<1024x128xf32, #tpu.memory_space<vmem>>, %arg8: memref<8x128xf32, #tpu.memory_space<vmem>>) attributes {dimension_semantics = [#tpu.dimension_semantics<arbitrary>], iteration_bounds = array<i64: 10>, scalar_prefetch = 0 : i64, scratch_operands = 0 : i64, tpu.core_type = #tpu.core_type<tc>, window_params = [{transform_indices = @transform_0, window_bounds = array<i64: 1, 1024, 128>}, {transform_indices = @transform_1, window_bounds = array<i64: 1, 1024, 128>}, {transform_indices = @transform_2, window_bounds = array<i64: 1024, 128>}, {transform_indices = @transform_3, window_bounds = array<i64: 2, 8, 128>}, {pipeline_mode = #tpu.pipeline_mode<synchronous>, transform_indices = @transform_4, window_bounds = array<i64: 1024, 128>}, {pipeline_mode = #tpu.pipeline_mode<synchronous>, transform_indices = @transform_5, window_bounds = array<i64: 1, 128>}, {transform_indices = @transform_6, window_bounds = array<i64: 1024, 128>}, {pipeline_mode = #tpu.pipeline_mode<synchronous>, transform_indices = @transform_7, window_bounds = array<i64: 8, 128>}]} {
    %get3A = arith.constant 0 : index
    %get3A_0 = arith.constant 0 : index
    %get3A_1 = arith.constant 0 : index
    %get3A_2 = vector.load %arg1[%get3A, %get3A_0, %get3A_1] : memref<1x1024x128xf32, #tpu.memory_space<vmem>>, vector<1x1024x128xf32>
    %get3A_3 = vector.shape_cast %get3A_2 : vector<1x1024x128xf32> to vector<1024x128xf32>
    %get3A_4 = arith.constant 0 : index
    %get3A_5 = arith.constant 0 : index
    %get3A_6 = arith.constant 0 : index
    %get3A_7 = vector.load %arg2[%get3A_4, %get3A_5, %get3A_6] : memref<1x1024x128xf32, #tpu.memory_space<vmem>>, vector<1x1024x128xf32>
    %get3A_8 = vector.shape_cast %get3A_7 : vector<1x1024x128xf32> to vector<1024x128xf32>
    %add3A = arith.addf %get3A_3, %get3A_8 : vector<1024x128xf32>
    %get3A_9 = arith.constant 0 : index
    %get3A_10 = arith.constant 0 : index
    %get3A_11 = vector.load %arg3[%get3A_9, %get3A_10] : memref<1024x128xf32, #tpu.memory_space<vmem>>, vector<1024x128xf32>
    %add3A_12 = arith.addf %add3A, %get3A_11 : vector<1024x128xf32>
    %get3A_13 = arith.constant 0 : index
    %get3A_14 = arith.constant 0 : index
    %get3A_15 = arith.constant 0 : index
    %get3A_16 = vector.load %arg4[%get3A_13, %get3A_14, %get3A_15] : memref<2x8x128xf32, #tpu.memory_space<vmem>>, vector<1x8x128xf32>
    %get3A_17 = vector.shape_cast %get3A_16 : vector<1x8x128xf32> to vector<8x128xf32>
    %get3A_18 = arith.constant 1 : index
    %get3A_19 = arith.constant 0 : index
    %get3A_20 = arith.constant 0 : index
    %get3A_21 = vector.load %arg4[%get3A_18, %get3A_19, %get3A_20] : memref<2x8x128xf32, #tpu.memory_space<vmem>>, vector<1x8x128xf32>
    %get3A_22 = vector.shape_cast %get3A_21 : vector<1x8x128xf32> to vector<8x128xf32>
    %add3A_23 = arith.addf %get3A_17, %get3A_22 : vector<8x128xf32>
    %add3A_24 = arith.constant 1.000000e+00 : f32
    %add3A_25 = vector.broadcast %add3A_24 : f32 to vector<8x128xf32>
    %add3A_26 = arith.addf %add3A_23, %add3A_25 : vector<8x128xf32>
    %rsqrt3A = math.rsqrt %add3A_26 : vector<8x128xf32>
    %broadcast_in_dim3A = vector.shape_cast %rsqrt3A : vector<8x128xf32> to vector<8x1x128xf32>
    %broadcast_in_dim3A_27 = vector.shape_cast %broadcast_in_dim3A : vector<8x1x128xf32> to vector<8x1x128xf32>
    %broadcast_in_dim3A_28 = vector.broadcast %broadcast_in_dim3A_27 : vector<8x1x128xf32> to vector<8x128x128xf32>
    %reshape3A = vector.shape_cast %broadcast_in_dim3A_28 : vector<8x128x128xf32> to vector<1024x128xf32>
    %get3A_29 = arith.constant 0 : index
    %get3A_30 = arith.constant 0 : index
    %get3A_31 = vector.load %arg5[%get3A_29, %get3A_30] : memref<1024x128xf32, #tpu.memory_space<vmem>>, vector<1024x128xf32>
    %mul3A = arith.mulf %reshape3A, %get3A_31 : vector<1024x128xf32>
    %convert_element_type3A = arith.truncf %mul3A : vector<1024x128xf32> to vector<1024x128xbf16>
    %convert_element_type3A_32 = arith.extf %convert_element_type3A : vector<1024x128xbf16> to vector<1024x128xf32>
    %sub3A = arith.subf %mul3A, %convert_element_type3A_32 : vector<1024x128xf32>
    %broadcast_in_dim3A_33 = arith.constant 1.000000e+00 : f32
    %broadcast_in_dim3A_34 = vector.broadcast %broadcast_in_dim3A_33 : f32 to vector<128x128xf32>
    %dot_general3A = arith.constant dense<0.000000e+00> : vector<1024x128xf32>
    %dot_general3A_35 = tpu.matmul %convert_element_type3A_32, %broadcast_in_dim3A_34, %dot_general3A {dimension_numbers = #tpu.dot_dimension_numbers<[1], [0], [0], [1], [0, 0, 1, 1], [], []>, transpose_lhs_hint = false} : vector<1024x128xf32>, vector<128x128xf32>, vector<1024x128xf32> -> vector<1024x128xf32>
    %dot_general3A_36 = arith.constant dense<0.000000e+00> : vector<1024x128xf32>
    %dot_general3A_37 = tpu.matmul %sub3A, %broadcast_in_dim3A_34, %dot_general3A_36 {dimension_numbers = #tpu.dot_dimension_numbers<[1], [0], [0], [1], [0, 0, 1, 1], [], []>, transpose_lhs_hint = false} : vector<1024x128xf32>, vector<128x128xf32>, vector<1024x128xf32> -> vector<1024x128xf32>
    %add3A_38 = arith.addf %dot_general3A_35, %dot_general3A_37 : vector<1024x128xf32>
    %mul3A_39 = arith.mulf %add3A_38, %add3A_12 : vector<1024x128xf32>
    %get3A_40 = arith.constant 0 : index
    %get3A_41 = arith.constant 0 : index
    %get3A_42 = vector.load %arg6[%get3A_40, %get3A_41] : memref<1x128xf32, #tpu.memory_space<vmem>>, vector<1x128xf32>
    %add3A_43 = vector.broadcast %get3A_42 : vector<1x128xf32> to vector<1024x128xf32>
    %add3A_44 = arith.addf %mul3A_39, %add3A_43 : vector<1024x128xf32>
    %swap3A = arith.constant 0 : index
    %swap3A_45 = arith.constant 0 : index
    %swap3A_46 = vector.load %arg7[%swap3A, %swap3A_45] : memref<1024x128xf32, #tpu.memory_space<vmem>>, vector<1024x128xf32>
    tpu.vector_store %arg7[%swap3A, %swap3A_45], %add3A_44 {strides = array<i32>} : memref<1024x128xf32, #tpu.memory_space<vmem>>, vector<1024x128xf32>,
    %eq3A = arith.constant 0 : i32
    %eq3A_47 = arith.cmpi eq, %arg0, %eq3A : i32
    %convert_element_type3A_48 = arith.extui %eq3A_47 : i1 to i32
    %cond3A = arith.constant 0 : i32
    %cond3A_49 = arith.cmpi ne, %convert_element_type3A_48, %cond3A : i32
    scf.if %cond3A_49 {
      %broadcast_in_dim3A_79 = arith.constant 0.000000e+00 : f32
      %broadcast_in_dim3A_80 = vector.broadcast %broadcast_in_dim3A_79 : f32 to vector<8x128xf32>
      %swap3A_81 = arith.constant 0 : index
      %swap3A_82 = arith.constant 0 : index
      %swap3A_83 = vector.load %arg8[%swap3A_81, %swap3A_82] : memref<8x128xf32, #tpu.memory_space<vmem>>, vector<8x128xf32>
      tpu.vector_store %arg8[%swap3A_81, %swap3A_82], %broadcast_in_dim3A_80 {strides = array<i32>} : memref<8x128xf32, #tpu.memory_space<vmem>>, vector<8x128xf32>,
    } else {
    }
    %iota3A = tpu.iota {dimensions = array<i32: 0>} : vector<1024x1xi32>
    %mul3A_50 = arith.constant 1024 : i32
    %mul3A_51 = arith.muli %arg0, %mul3A_50 : i32
    %add3A_52 = vector.broadcast %mul3A_51 : i32 to vector<1024x1xi32>
    %add3A_53 = arith.addi %iota3A, %add3A_52 : vector<1024x1xi32>
    %lt3A = arith.constant 10000 : i32
    %lt3A_54 = vector.broadcast %lt3A : i32 to vector<1024x1xi32>
    %lt3A_55 = arith.cmpi slt, %add3A_53, %lt3A_54 : vector<1024x1xi32>
    %jit3A = arith.constant 0.000000e+00 : f32
    %broadcast_in_dim3A_56 = vector.shape_cast %lt3A_55 : vector<1024x1xi1> to vector<1024x1xi1>
    %broadcast_in_dim3A_57 = vector.broadcast %broadcast_in_dim3A_56 : vector<1024x1xi1> to vector<1024x128xi1>
    %broadcast_in_dim3A_58 = vector.broadcast %jit3A : f32 to vector<1024x128xf32>
    %select_n3A = arith.select %broadcast_in_dim3A_57, %add3A_44, %broadcast_in_dim3A_58 : vector<1024x128xi1>, vector<1024x128xf32>
    %get3A_59 = arith.constant 0 : index
    %get3A_60 = arith.constant 0 : index
    %get3A_61 = vector.load %arg8[%get3A_59, %get3A_60] : memref<8x128xf32, #tpu.memory_space<vmem>>, vector<1x128xf32>
    %reduce_sum3A = arith.constant dense<0.000000e+00> : vector<128xf32>
    %reduce_sum3A_62 = vector.multi_reduction <add>, %select_n3A, %reduce_sum3A [0] : vector<1024x128xf32> to vector<128xf32>
    %broadcast_in_dim3A_63 = vector.shape_cast %reduce_sum3A_62 : vector<128xf32> to vector<1x128xf32>
    %add3A_64 = arith.addf %get3A_61, %broadcast_in_dim3A_63 : vector<1x128xf32>
    %swap3A_65 = arith.constant 0 : index
    %swap3A_66 = arith.constant 0 : index
    %swap3A_67 = vector.load %arg8[%swap3A_65, %swap3A_66] : memref<8x128xf32, #tpu.memory_space<vmem>>, vector<1x128xf32>
    tpu.vector_store %arg8[%swap3A_65, %swap3A_66], %add3A_64 {strides = array<i32>} : memref<8x128xf32, #tpu.memory_space<vmem>>, vector<1x128xf32>,
    %get3A_68 = arith.constant 1 : index
    %get3A_69 = arith.constant 0 : index
    %get3A_70 = vector.load %arg8[%get3A_68, %get3A_69] : memref<8x128xf32, #tpu.memory_space<vmem>>, vector<1x128xf32>
    %mul3A_71 = arith.mulf %select_n3A, %select_n3A : vector<1024x128xf32>
    %reduce_sum3A_72 = arith.constant dense<0.000000e+00> : vector<128xf32>
    %reduce_sum3A_73 = vector.multi_reduction <add>, %mul3A_71, %reduce_sum3A_72 [0] : vector<1024x128xf32> to vector<128xf32>
    %broadcast_in_dim3A_74 = vector.shape_cast %reduce_sum3A_73 : vector<128xf32> to vector<1x128xf32>
    %add3A_75 = arith.addf %get3A_70, %broadcast_in_dim3A_74 : vector<1x128xf32>
    %swap3A_76 = arith.constant 1 : index
    %swap3A_77 = arith.constant 0 : index
    %swap3A_78 = vector.load %arg8[%swap3A_76, %swap3A_77] : memref<8x128xf32, #tpu.memory_space<vmem>>, vector<1x128xf32>
    tpu.vector_store %arg8[%swap3A_76, %swap3A_77], %add3A_75 {strides = array<i32>} : memref<8x128xf32, #tpu.memory_space<vmem>>, vector<1x128xf32>,
    return
  }
  func.func @transform_0(%arg0: i32) -> (i32, i32, i32) {
    %c0_i32 = arith.constant 0 : i32
    %c0_i32_0 = arith.constant 0 : i32
    %c0_i32_1 = arith.constant 0 : i32
    return %c0_i32, %arg0, %c0_i32_0 : i32, i32, i32
  }
  func.func @transform_1(%arg0: i32) -> (i32, i32, i32) {
    %c1_i32 = arith.constant 1 : i32
    %c0_i32 = arith.constant 0 : i32
    %c0_i32_0 = arith.constant 0 : i32
    return %c1_i32, %arg0, %c0_i32 : i32, i32, i32
  }
  func.func @transform_2(%arg0: i32) -> (i32, i32) {
    %c0_i32 = arith.constant 0 : i32
    %c0_i32_0 = arith.constant 0 : i32
    return %arg0, %c0_i32 : i32, i32
  }
  func.func @transform_3(%arg0: i32) -> (i32, i32, i32) {
    %c0_i32 = arith.constant 0 : i32
    %c0_i32_0 = arith.constant 0 : i32
    %c0_i32_1 = arith.constant 0 : i32
    return %c0_i32, %arg0, %c0_i32_0 : i32, i32, i32
  }
  func.func @transform_4(%arg0: i32) -> (i32, i32) {
    %c0_i32 = arith.constant 0 : i32
    %c0_i32_0 = arith.constant 0 : i32
    %c0_i32_1 = arith.constant 0 : i32
    return %c0_i32, %c0_i32_0 : i32, i32
  }
  func.func @transform_5(%arg0: i32) -> (i32, i32) {
    %c0_i32 = arith.constant 0 : i32
    %c0_i32_0 = arith.constant 0 : i32
    %c0_i32_1 = arith.constant 0 : i32
    return %c0_i32, %c0_i32_0 : i32, i32
  }
  func.func @transform_6(%arg0: i32) -> (i32, i32) {
    %c0_i32 = arith.constant 0 : i32
    %c0_i32_0 = arith.constant 0 : i32
    return %arg0, %c0_i32 : i32, i32
  }
  func.func @transform_7(%arg0: i32) -> (i32, i32) {
    %c0_i32 = arith.constant 0 : i32
    %c0_i32_0 = arith.constant 0 : i32
    %c0_i32_1 = arith.constant 0 : i32
    return %c0_i32, %c0_i32_0 : i32, i32
  }
}

module attributes {stable_mosaic.version = 14 : i64} {
  func.func @_tc_bn_body(%arg0: i32, %arg1: memref<1000x128xf32, #tpu.memory_space<vmem>>, %arg2: memref<8x128xf32, #tpu.memory_space<vmem>>, %arg3: memref<1x128xf32, #tpu.memory_space<vmem>>, %arg4: memref<1x128xf32, #tpu.memory_space<vmem>>, %arg5: memref<1000x128xf32, #tpu.memory_space<vmem>>) attributes {dimension_semantics = [#tpu.dimension_semantics<arbitrary>], iteration_bounds = array<i64: 10>, scalar_prefetch = 0 : i64, scratch_operands = 0 : i64, tpu.core_type = #tpu.core_type<tc>, window_params = [{transform_indices = @transform_0, window_bounds = array<i64: 1000, 128>}, {pipeline_mode = #tpu.pipeline_mode<synchronous>, transform_indices = @transform_1, window_bounds = array<i64: 8, 128>}, {pipeline_mode = #tpu.pipeline_mode<synchronous>, transform_indices = @transform_2, window_bounds = array<i64: 1, 128>}, {pipeline_mode = #tpu.pipeline_mode<synchronous>, transform_indices = @transform_3, window_bounds = array<i64: 1, 128>}, {transform_indices = @transform_4, window_bounds = array<i64: 1000, 128>}]} {
    %get3A = arith.constant 0 : index
    %get3A_0 = arith.constant 0 : index
    %get3A_1 = vector.load %arg2[%get3A, %get3A_0] : memref<8x128xf32, #tpu.memory_space<vmem>>, vector<1x128xf32>
    %mul3A = arith.constant 9.99999974E-5 : f32
    %mul3A_2 = vector.broadcast %mul3A : f32 to vector<1x128xf32>
    %mul3A_3 = arith.mulf %get3A_1, %mul3A_2 : vector<1x128xf32>
    %get3A_4 = arith.constant 1 : index
    %get3A_5 = arith.constant 0 : index
    %get3A_6 = vector.load %arg2[%get3A_4, %get3A_5] : memref<8x128xf32, #tpu.memory_space<vmem>>, vector<1x128xf32>
    %mul3A_7 = arith.constant 9.99999974E-5 : f32
    %mul3A_8 = vector.broadcast %mul3A_7 : f32 to vector<1x128xf32>
    %mul3A_9 = arith.mulf %get3A_6, %mul3A_8 : vector<1x128xf32>
    %mul3A_10 = arith.mulf %mul3A_3, %mul3A_3 : vector<1x128xf32>
    %sub3A = arith.subf %mul3A_9, %mul3A_10 : vector<1x128xf32>
    %add3A = arith.constant 9.99999974E-6 : f32
    %add3A_11 = vector.broadcast %add3A : f32 to vector<1x128xf32>
    %add3A_12 = arith.addf %sub3A, %add3A_11 : vector<1x128xf32>
    %rsqrt3A = math.rsqrt %add3A_12 : vector<1x128xf32>
    %get3A_13 = arith.constant 0 : index
    %get3A_14 = arith.constant 0 : index
    %get3A_15 = vector.load %arg1[%get3A_13, %get3A_14] : memref<1000x128xf32, #tpu.memory_space<vmem>>, vector<1000x128xf32>
    %sub3A_16 = vector.broadcast %mul3A_3 : vector<1x128xf32> to vector<1000x128xf32>
    %sub3A_17 = arith.subf %get3A_15, %sub3A_16 : vector<1000x128xf32>
    %mul3A_18 = vector.broadcast %rsqrt3A : vector<1x128xf32> to vector<1000x128xf32>
    %mul3A_19 = arith.mulf %sub3A_17, %mul3A_18 : vector<1000x128xf32>
    %get3A_20 = arith.constant 0 : index
    %get3A_21 = arith.constant 0 : index
    %get3A_22 = vector.load %arg3[%get3A_20, %get3A_21] : memref<1x128xf32, #tpu.memory_space<vmem>>, vector<1x128xf32>
    %mul3A_23 = vector.broadcast %get3A_22 : vector<1x128xf32> to vector<1000x128xf32>
    %mul3A_24 = arith.mulf %mul3A_19, %mul3A_23 : vector<1000x128xf32>
    %get3A_25 = arith.constant 0 : index
    %get3A_26 = arith.constant 0 : index
    %get3A_27 = vector.load %arg4[%get3A_25, %get3A_26] : memref<1x128xf32, #tpu.memory_space<vmem>>, vector<1x128xf32>
    %add3A_28 = vector.broadcast %get3A_27 : vector<1x128xf32> to vector<1000x128xf32>
    %add3A_29 = arith.addf %mul3A_24, %add3A_28 : vector<1000x128xf32>
    %max3A = arith.constant 0.000000e+00 : f32
    %max3A_30 = vector.broadcast %max3A : f32 to vector<1000x128xf32>
    %max3A_31 = arith.maximumf %add3A_29, %max3A_30 : vector<1000x128xf32>
    %swap3A = arith.constant 0 : index
    %swap3A_32 = arith.constant 0 : index
    %swap3A_33 = vector.load %arg5[%swap3A, %swap3A_32] : memref<1000x128xf32, #tpu.memory_space<vmem>>, vector<1000x128xf32>
    tpu.vector_store %arg5[%swap3A, %swap3A_32], %max3A_31 {strides = array<i32>} : memref<1000x128xf32, #tpu.memory_space<vmem>>, vector<1000x128xf32>,
    return
  }
  func.func @transform_0(%arg0: i32) -> (i32, i32) {
    %c0_i32 = arith.constant 0 : i32
    %c0_i32_0 = arith.constant 0 : i32
    return %arg0, %c0_i32 : i32, i32
  }
  func.func @transform_1(%arg0: i32) -> (i32, i32) {
    %c0_i32 = arith.constant 0 : i32
    %c0_i32_0 = arith.constant 0 : i32
    %c0_i32_1 = arith.constant 0 : i32
    return %c0_i32, %c0_i32_0 : i32, i32
  }
  func.func @transform_2(%arg0: i32) -> (i32, i32) {
    %c0_i32 = arith.constant 0 : i32
    %c0_i32_0 = arith.constant 0 : i32
    %c0_i32_1 = arith.constant 0 : i32
    return %c0_i32, %c0_i32_0 : i32, i32
  }
  func.func @transform_3(%arg0: i32) -> (i32, i32) {
    %c0_i32 = arith.constant 0 : i32
    %c0_i32_0 = arith.constant 0 : i32
    %c0_i32_1 = arith.constant 0 : i32
    return %c0_i32, %c0_i32_0 : i32, i32
  }
  func.func @transform_4(%arg0: i32) -> (i32, i32) {
    %c0_i32 = arith.constant 0 : i32
    %c0_i32_0 = arith.constant 0 : i32
    return %arg0, %c0_i32 : i32, i32
  }
}

</mosaic_0001>

<sc_bundles>
// kernel: kernel.10.cloned.1.call-start
scs
__scs_entry_jumppad:
0x0: {  	(pc) =	sbr.rel $0x88, $3  }
0x1: {  	(tag) =	ssettag $0x0;
	lr =	simm.s32 $0x1  }
0x2: {  	[smem:$0x3F9B] =	sst lr;
	_ =	strace $0xD0000000  }
0x3: {  	_ = 	snop  }
0x4: {  	_ = 	snop  }
0x5: {  	_ = 	snop  }
0x6: {  	_ = 	snop  }
0x7: {  	_ = 	snop  }
__scs_overlays_trampoline_lowered:
0x8: {  	[smem:$0x3FAA] =	sst s0  }
0x9: {  	[smem:$0x3FAB] =	sst s1  }
0xa: {  	[smem:$0x3FAC] =	sst s2  }
0xb: {  	[smem:$0x3FAD] =	sst s3  }
0xc: {  	[smem:$0x3FAE] =	sst s4  }
0xd: {  	[smem:$0x3FAF] =	sst s5  }
0xe: {  	[smem:$0x3FB0] =	sst s6  }
0xf: {  	[smem:$0x3FB1] =	sst s7  }
0x10: {  	[smem:$0x3FB2] =	sst s8  }
0x11: {  	[smem:$0x3FB3] =	sst s9;
	s0 =	simm.s32 @!p0 $0x0  }
0x12: {  	s1 =	sld [smem:$0x3F99];
	s0 =	simm.s32 @p0 $0x1  }
0x13: {  	[smem:$0x3FB4] =	sst s0;
	s0 =	simm.s32 @!p1 $0x0  }
0x14: {  	s2 =	sld [smem:$0x3F98];
	s0 =	simm.s32 @p1 $0x1  }
0x15: {  	[smem:$0x3FB5] =	sst s0;
	s0 =	simm.s32 @!p2 $0x0  }
0x16: {  	s3 =	sld [smem:$0x3FDB];
	s0 =	simm.s32 @p2 $0x1  }
0x17: {  	s4 =	simm.s32 $0x1BF5;
	[smem:$0x3FB7] =	sst s0  }
0x18: {  	s0 =	sld [smem:$0x3F9A];
	_ =	swait.ge [sflag:s4], $0x0  }
0x19: {  	s7 =	sld [smem:$0x3F9B]  }
0x1a: {  	s8 =	sadd.s32 $0xFFFFE003, lr  }
0x1b: {  	s9 =	sadd.s32 $0xFFFFFEF7, lr;
	s5 =	simm.s32 $0xFFFFFFFF;
	p2 =	slt.u32 s8, $0xFFFFF086  }
0x1c: {  	p1 =	slt.u32 s9, $0xF7A;
	s5 =	simm.s32 @!p2 $0x0  }
0x1d: {  	s5 =	simm.s32 @p1 $0x1;
	p0 =	seq.s32 s7, s2  }
0x1e: {  	s7 =	smul.u32 @!p0 $0xF7A, s2;
	p2 =	seq.s32 @!p0 s5, $0x0  }
0x1f: {  	s9 =	smul.u32 $0xF7A, s1;
	s8 =	simm.s32 @!p0 $0x1BF5;
	p2 =	por !p2, p0  }
0x20: {  	[sflag:s8] =	ssyncset.s32 @!p0 $0xFFFFF086;
	s6 =	sadd.s32 @!p0 s3, s7;
	s7 =	simm.s32 @!p0 $0x108  }
0x21: {  	s3 =	sadd.s32 s3, s9;
	s6 =	sadd.s32 @!p0 $0x88, s6;
	s7 =	simm.s32 @p2 $0x1082  }
0x22: {  	[simem:s7], [sflag:s8] =	dma.local @!p0 [hbm:s6], $0xF7A  }
0x23: {  	s9 =	sor.u32 $0xD0000000, s2;
	s6 =	simm.s32 $0x108;
	_ =	swait.ge @!p0 [sflag:s8], $0x0  }
0x24: {  	s3 =	sadd.s32 $0x88, s3;
	s6 =	simm.s32 @!p1 $0x1082;
	[sflag:s4] =	ssyncset.s32 $0xFFFFF086  }
0x25: {  	[simem:s6], [sflag:s4] =	dma.local [hbm:s3], $0xF7A  }
0x26: {  	[smem:$0x3F9B] =	sst s1;
	(tag) =	ssettag s2;
	_ =	strace s9  }
0x27: {  	s1 =	sld [smem:$0x3FAB]  }
0x28: {  	s2 =	sld [smem:$0x3FAC]  }
0x29: {  	s4 =	sld [smem:$0x3FAE]  }
0x2a: {  	p0 =	seq.s32 s5, $0x0;
	s5 =	sld [smem:$0x3FAF]  }
0x2b: {  	s6 =	sld [smem:$0x3FB0]  }
0x2c: {  	s7 =	sld [smem:$0x3FB1]  }
0x2d: {  	s3 =	simm.s32 $0x108;
	s8 =	sld [smem:$0x3FB2]  }
0x2e: {  	s3 =	simm.s32 @!p0 $0x1082;
	s9 =	sld [smem:$0x3FB3]  }
0x2f: {  	lr =	sadd.s32 s0, s3;
	s0 =	sld [smem:$0x3FAA]  }
0x30: {  	s3 =	sld [smem:$0x3FAD]  }
0x31: {  	[smem:$0x3FB6] =	sst s10  }
0x32: {  	s10 =	sld [smem:$0x3FB4];
	_ =	sdelay $0x3  }
0x33: {  	p0 =	seq.s32 s10, $0x1;
	s10 =	sld [smem:$0x3FB6];
	_ =	sdelay $0x3  }
0x34: {  	[smem:$0x3FB6] =	sst s10  }
0x35: {  	s10 =	sld [smem:$0x3FB5];
	_ =	sdelay $0x3  }
0x36: {  	p1 =	seq.s32 s10, $0x1;
	s10 =	sld [smem:$0x3FB6];
	_ =	sdelay $0x3  }
0x37: {  	[smem:$0x3FB6] =	sst s10  }
0x38: {  	s10 =	sld [smem:$0x3FB7]  }
0x39: {  	_ = 	snop;
	(pc) =	sbr.ind lr, $3  }
0x3a: {  	_ = 	snop  }
0x3b: {  	_ = 	snop  }
0x3c: {  	p2 =	seq.s32 s10, $0x1;
	s10 =	sld [smem:$0x3FB6]  }
0x3d: {  	_ =	shalt  }
0x3e: {  	_ =	shalt  }
0x3f: {  	_ =	shalt  }
0x40: {  	_ =	shalt  }
0x41: {  	_ =	shalt  }
0x42: {  	_ =	shalt  }
0x43: {  	_ =	shalt  }
0x44: {  	_ =	shalt  }
0x45: {  	_ =	shalt  }
0x46: {  	_ =	shalt  }
0x47: {  	_ =	shalt  }
0x48: {  	_ =	shalt  }
0x49: {  	_ =	shalt  }
0x4a: {  	_ =	shalt  }
0x4b: {  	_ =	shalt  }
0x4c: {  	_ =	shalt  }
0x4d: {  	_ =	shalt  }
0x4e: {  	_ =	shalt  }
0x4f: {  	_ =	shalt  }
0x50: {  	_ =	shalt  }
0x51: {  	_ =	shalt  }
0x52: {  	_ =	shalt  }
0x53: {  	_ =	shalt  }
0x54: {  	_ =	shalt  }
0x55: {  	_ =	shalt  }
0x56: {  	_ =	shalt  }
0x57: {  	_ =	shalt  }
0x58: {  	_ =	shalt  }
0x59: {  	_ =	shalt  }
0x5a: {  	_ =	shalt  }
0x5b: {  	_ =	shalt  }
0x5c: {  	_ =	shalt  }
0x5d: {  	_ =	shalt  }
0x5e: {  	_ =	shalt  }
0x5f: {  	_ =	shalt  }
0x60: {  	_ =	shalt  }
0x61: {  	_ =	shalt  }
0x62: {  	_ =	shalt  }
0x63: {  	_ =	shalt  }
0x64: {  	_ =	shalt  }
0x65: {  	_ =	shalt  }
0x66: {  	_ =	shalt  }
0x67: {  	_ =	shalt  }
0x68: {  	_ =	shalt  }
0x69: {  	_ =	shalt  }
0x6a: {  	_ =	shalt  }
0x6b: {  	_ =	shalt  }
0x6c: {  	_ =	shalt  }
0x6d: {  	_ =	shalt  }
0x6e: {  	_ =	shalt  }
0x6f: {  	_ =	shalt  }
0x70: {  	_ =	shalt  }
0x71: {  	_ =	shalt  }
0x72: {  	_ =	shalt  }
0x73: {  	_ =	shalt  }
0x74: {  	_ =	shalt  }
0x75: {  	_ =	shalt  }
0x76: {  	_ =	shalt  }
0x77: {  	_ =	shalt  }
0x78: {  	_ =	shalt  }
0x79: {  	_ =	shalt  }
0x7a: {  	_ =	shalt  }
0x7b: {  	_ =	shalt  }
0x7c: {  	_ =	shalt  }
0x7d: {  	_ =	shalt  }
0x7e: {  	_ =	shalt  }
0x7f: {  	_ =	shalt  }
0x80: {  	_ =	shalt  }
0x81: {  	_ =	shalt  }
0x82: {  	_ =	shalt  }
0x83: {  	_ =	shalt  }
0x84: {  	_ =	shalt  }
0x85: {  	_ =	shalt  }
0x86: {  	_ =	shalt  }
0x87: {  	_ =	shalt  }
.Lfunc_end0:
.L_simem_size_0:
called_computation.1_lowered:
.L_overlay_start_0:
0x88: {  	s2 =	sld [smem:$0x3FD9]  }
0x89: {  	s3 =	sld [smem:$0x3FFE];
	_ =	sdelay $0x1  }
0x8a: {  	s1 =	srdreg.scid  }
0x8b: {  	s0 =	sand.u32 $0x1, s1  }
0x8c: {  	s17 =	sshll.u32 s0, $0xA;
	s2 =	sadd.s32 s3, s2  }
0x8d: {  	s2 =	sadd.s32 s2, s17  }
0x8e: {  	[smem:$0x3FC2] =	sst s2  }
0x8f: {  	_ = 	snop  }
0x90: {  	s2 =	sld [smem:$0x3FD0];
	(tm) =	ssettm $0x1  }
0x91: {  	s18 =	sld [smem:$0x3FFB];
	_ =	sdelay $0x3  }
0x92: {  	_ =	strace s18  }
0x93: {  	s3 =	sld [smem:$0x3FFC];
	_ =	sdelay $0x3  }
0x94: {  	_ =	strace s3  }
0x95: {  	s3 =	sld [smem:$0x3FFD];
	_ =	sdelay $0x3  }
0x96: {  	_ =	strace s3  }
0x97: {  	_ =	strace $0x8FFFFFFF  }
0x98: {  	s19 =	sld [smem:$0x3FDB];
	_ =	sdelay $0x1  }
0x99: {  	s4 =	simm.s32 $_scs_section_size  }
0x9a: {  	s5 =	simm.s32 $_size__tile_overlayer_lowered;
	s6 =	simm.s32 $_tile_overlayer_lowered  }
0x9b: {  	s22 =	simm.s32 $0x1BFF;
	s21 =	sshll.u32 s6, $0x1;
	s3 =	sadd.s32 s4, s19  }
0x9c: {  	s7 =	simm.s32 $0x0;
	s20 =	sshll.u32 s5, $0x1;
	s5 =	sadd.s32 s21, s3  }
0x9d: {  	[timem:s7], [sflag:s22] =	dma.local [hbm:s5], s20  }
0x9e: {  	_ =	swait.ge [sflag:s22], s20  }
0x9f: {  	s4 =	ssub.s32 $0x0, s20;
	[sflag:s22] =	ssyncset.done $0x0  }
0xa0: {  	[sflag:s22] =	ssyncadd.s32 s4;
	_ =	sdelay $0x1  }
0xa1: {  	s23 =	simm.s32 $0x1B8B  }
0xa2: {  	_ =	swait.ge [sflag:s23], $0x1  }
0xa3: {  	[sflag:s23] =	ssyncset.done $0x0  }
0xa4: {  	s25 =	simm.s32 $0x1B8E;
	s24 =	sld [smem:$0x3FFE];
	[sflag:s23] =	ssyncadd.s32 $0xFFFFFFFF  }
0xa5: {  	s26 =	simm.s32 $execute0_lowered;
	[smem:$0x3FD2] =	sst s25  }
0xa6: {  	s5 =	sshll.u32 s26, $0x1;
	_ =	strace $0x80000049;
	[dreg:$0x1] =	wrdreg $0xFFFFFFFF  }
0xa7: {  	s28 =	simm.s32 $_size_execute0_lowered;
	s3 =	sadd.s32 s3, s5;
	[dreg:$0x0] =	wrdreg $0x0  }
0xa8: {  	s5 =	sshll.u32 s28, $0x1;
	[dreg:$0x2] =	wrdreg s3  }
0xa9: {  	[dreg:$0x3] =	wrdreg s5  }
0xaa: {  	[dreg:$0x4] =	wrdreg $0xC0  }
0xab: {  	_ =	task [dreg:s7], $0x5FFFF  }
0xac: {  	[dreg:$0x1] =	wrdreg $0xFFFFFFFF  }
0xad: {  	[dreg:$0x0] =	wrdreg $0x60  }
0xae: {  	[dreg:$0x2] =	wrdreg s24  }
0xaf: {  	[dreg:$0x3] =	wrdreg s2  }
0xb0: {  	[dreg:$0x4] =	wrdreg $0xA8000  }
0xb1: {  	[dreg:$0x5] =	wrdreg $0x9  }
0xb2: {  	_ =	task.clear_ibuf [dreg:s7], $0x6FFFF;
	_ =	strace $0x90000049  }
0xb3: {  	s29 =	simm.s32 $0x9;
	_ =	strace $0x8000004B  }
0xb4: {  	_ =	swait.ge [sflag:s29], $0x1  }
0xb5: {  	[sflag:s29] =	ssyncadd.s32 $0xFFFFFFFF  }
0xb6: {  	_ =	strace $0x9000004B  }
0xb7: {  	_ =	sfence  }
0xb8: {  	s30 =	sld [smem:$0x0];
	_ =	sdelay $0x2  }
0xb9: {  	s31 =	sshll.u32 s1, $0xD;
	s1 =	sshrl.u32 s1, $0x2  }
0xba: {  	s3 =	sand.u32 $0x4000, s31;
	s1 =	sadd.s32 s1, s30  }
0xbb: {  	s0 =	sor.u32 s3, s0;
	s1 =	sshll.u32 s1, $0x11  }
0xbc: {  	s0 =	sor.u32 s1, s0  }
0xbd: {  	s0 =	sadd.s32 $0x8F2B, s0  }
0xbe: {  	[sflag:s0] =	ssyncadd.remote.s32 $0x1  }
0xbf: {  	_ =	sfence.sel $0xFFFF  }
0xc0: {  	[dreg:$0x0] =	wrdreg $0xFFFFFFFF;
	(pc) =	sbr.abs _section_cstart, $3  }
0xc1: {  	[dreg:$0x1] =	wrdreg $0xFFFFFFFF  }
0xc2: {  	_ =	task.clear_ibuf [dreg:s7], $0x2FFFF;
	_ =	strace $0x9FFFFFFF  }
0xc3: {  	(tm) =	ssettm $0x7FFFFFFF  }
tec
execute0_lowered:
.L_overlay_start_1:
0x0: {  	(tag) =	ssettag $0x1  }
0x1: {  	s6 =	rddreg [dreg:$0x0]  }
0x2: {  	s1 =	rddreg [dreg:$0x1]  }
0x3: {  	s2 =	rddreg [dreg:$0x2];
	s3 =	simm.s32 $0x0  }
0x4: {  	s4 =	srdreg.scid;
	s15 =	simm.s32 $0x2800;
	s18 =	simm.s32 $0x1  }
0x5: {  	s19 =	simm.s32 $0x6800;
	s20 =	simm.s32 $0x2;
	s21 =	simm.s32 $0x3  }
0x6: {  	s22 =	simm.s32 $0x100;
	s23 =	simm.s32 $0x1480;
	s24 =	simm.s32 $0x4  }
0x7: {  	s28 =	simm.s32 $0x2780;
	s29 =	simm.s32 $0x0;
	[smem:$0x7FF] =	sst s3  }
0x8: {  	s7 =	sand.u32 $0x1, s4;
	s4 =	stileid.u32;
	s9 =	sadd.s32 $0x2000, s6  }
0x9: {  	s12 =	sadd.s32 $0xC000, s6;
	s5 =	sadd.s32 $0x16000, s6;
	s8 =	smul.u32 $0x140000, s7  }
0xa: {  	_ =	strace $0x8000004A;
	s10 =	smul.u32 $0x14000, s4;
	s11 =	sshll.u32 s4, $0x1  }
0xb: {  	s13 =	smul.u32 $0x50000, s4;
	s16 =	sshll.u32 s4, $0x6;
	s11 =	sor.u32 s7, s11  }
0xc: {  	s7 =	ssub.s32 $0x2, s7;
	s16 =	sor.u32 $0x1C05, s16;
	s8 =	sadd.s32 s10, s8  }
0xd: {  	s25 =	smul.u32 $0x2800, s11;
	s26 =	sshrl.u32 s7, $0x1;
	s31 =	sshrl.u32 s13, $0x2  }
0xe: {  	s13 =	simm.s32 $0x1400;
	s8 =	sshrl.u32 s8, $0x3;
	s11 =	ssub.s32 s7, s26  }
0xf: {  	s17 =	sadd.s32 s31, s2;
	s26 =	simm.s32 $0x2700;
	s14 =	sadd.s32 s8, s6  }
0x10: {  	s30 =	sshrl.u32 s25, $0x3;
	s11 =	smax.u32 s11, $0x1;
	s17 =	sshrl.u32 s17, $0x3  }
0x11: {  	s25 =	simm.s32 $0x1380;
	s6 =	sadd.s32 s9, s30;
	s10 =	sadd.s32 $0x280, s30  }
0x12: {  	s7 =	sadd.s32 s12, s30;
	s8 =	sadd.s32 s9, s10;
	s9 =	sadd.s32 s12, s10  }
0x13: {  	s10 =	sadd.s32 $0x18800, s14;
	s12 =	simm.s32 $0x5;
	s14 =	simm.s32 $0x80  }
.LBB2_1:
0x14: {  	[tilespmem:s3], [sflag:$0x5] =	stream.linear.gather [hbm4b:s6+s3], $0x1400, $0x38;
	[tilespmem:$0x1E800] =	vst v63  }
0x15: {  	_ =	swait.ge [sflag:s12], $0x1400  }
0x16: {  	[sflag:s12] =	ssyncset.done $0x0  }
0x17: {  	[sflag:s12] =	ssyncadd.s32 $0xFFFFEC00  }
0x18: {  	[tilespmem:s13], [sflag:$0x5] =	stream.linear.gather [hbm4b:s7+s3], $0x1400, $0x38;
	[tilespmem:$0x1E800] =	vst v63  }
0x19: {  	_ =	swait.ge [sflag:s12], $0x1400  }
0x1a: {  	[sflag:s12] =	ssyncset.done $0x0  }
0x1b: {  	[sflag:s12] =	ssyncadd.s32 $0xFFFFEC00  }
0x1c: {  	[tilespmem:s15], [sflag:$0x1] =	stream.indirect.gather [hbm4b:s1+s14], $0x80, s3, s14, $0xb8;
	[tilespmem:$0x1E800] =	vst v63  }
0x1d: {  	[spmem:s17], [sflag:s16] =	dma.local [hbm:s5], $0x2800  }
0x1e: {  	_ =	swait.ge [sflag:s12], $0x2800  }
0x1f: {  	[sflag:s12] =	ssyncset.done $0x0  }
0x20: {  	[sflag:s12] =	ssyncadd.s32 $0xFFFFD800  }
0x21: {  	[bflag:$0x0] =	sbarrier.arrive $0xFFFF  }
0x22: {  	_ =	swait.ge [sflag:s18], $0x4000  }
0x23: {  	[sflag:s18] =	ssyncset.done $0x0  }
0x24: {  	[sflag:s18] =	ssyncadd.s32 $0xFFFFC000  }
0x25: {  	[tilespmem:s19], [sflag:$0x2] =	stream.indirect.gather [hbm4b:s1+s14], $0x80, s14, s14, $0xb8;
	[tilespmem:$0x1E800] =	vst v63  }
0x26: {  	_ = 	snop  }
0x27: {  	[spmem:s2] =	stream.indirect.scatter.add.f32 [tilespmem:s15], [sflag:$0x3], $0x80, s13, s14, $0xb8;
	[tilespmem:$0x1E800] =	vst v63  }
0x28: {  	_ =	swait.ge [sflag:s20], $0x4000  }
0x29: {  	[sflag:s20] =	ssyncset.done $0x0  }
0x2a: {  	[sflag:s20] =	ssyncadd.s32 $0xFFFFC000  }
0x2b: {  	_ =	swait.ge [sflag:s21], $0x4000  }
0x2c: {  	[sflag:s21] =	ssyncset.done $0x0  }
0x2d: {  	[sflag:s21] =	ssyncadd.s32 $0xFFFFC000  }
0x2e: {  	[tilespmem:s15], [sflag:$0x1] =	stream.indirect.gather [hbm4b:s1+s14], $0x80, s22, s14, $0xb8;
	[tilespmem:$0x1E800] =	vst v63  }
0x2f: {  	_ = 	snop  }
0x30: {  	[spmem:s2] =	stream.indirect.scatter.add.f32 [tilespmem:s19], [sflag:$0x4], $0x80, s23, s14, $0xb8;
	[tilespmem:$0x1E800] =	vst v63  }
0x31: {  	_ =	swait.ge [sflag:s18], $0x4000  }
0x32: {  	[sflag:s18] =	ssyncset.done $0x0  }
0x33: {  	[sflag:s18] =	ssyncadd.s32 $0xFFFFC000  }
0x34: {  	_ =	swait.ge [sflag:s24], $0x4000  }
0x35: {  	[sflag:s24] =	ssyncset.done $0x0  }
0x36: {  	s30 =	simm.s32 $0x180;
	[sflag:s24] =	ssyncadd.s32 $0xFFFFC000  }
0x37: {  	[tilespmem:s19], [sflag:$0x2] =	stream.indirect.gather [hbm4b:s1+s14], $0x80, s30, s14, $0xb8;
	[tilespmem:$0x1E800] =	vst v63  }
0x38: {  	s30 =	simm.s32 $0x1500  }
0x39: {  	[spmem:s2] =	stream.indirect.scatter.add.f32 [tilespmem:s15], [sflag:$0x3], $0x80, s30, s14, $0xb8;
	[tilespmem:$0x1E800] =	vst v63  }
0x3a: {  	_ =	swait.ge [sflag:s20], $0x4000  }
0x3b: {  	[sflag:s20] =	ssyncset.done $0x0  }
0x3c: {  	[sflag:s20] =	ssyncadd.s32 $0xFFFFC000  }
0x3d: {  	_ =	swait.ge [sflag:s21], $0x4000  }
0x3e: {  	[sflag:s21] =	ssyncset.done $0x0  }
0x3f: {  	s30 =	simm.s32 $0x200;
	[sflag:s21] =	ssyncadd.s32 $0xFFFFC000  }
0x40: {  	[tilespmem:s15], [sflag:$0x1] =	stream.indirect.gather [hbm4b:s1+s14], $0x80, s30, s14, $0xb8;
	[tilespmem:$0x1E800] =	vst v63  }
0x41: {  	s31 =	simm.s32 $0x1580;
	s30 =	simm.s32 $0xFFFFBC00  }
.LBB2_2:
0x42: {  	[spmem:s2] =	stream.indirect.scatter.add.f32 [tilespmem:s19], [sflag:$0x4], $0x80, s31, s14, $0xb8;
	[tilespmem:$0x1E800] =	vst v63  }
0x43: {  	s31 =	smov.u32 s30  }
0x44: {  	p0 =	sne.s32 s30, $0xFFFFFC00;
	s30 =	sadd.s32 $0x400, s30;
	_ =	swait.ge [sflag:s18], $0x4000  }
0x45: {  	[sflag:s18] =	ssyncset.done $0x0  }
0x46: {  	[sflag:s18] =	ssyncadd.s32 $0xFFFFC000  }
0x47: {  	_ =	swait.ge [sflag:s24], $0x4000  }
0x48: {  	s31 =	sshra.s32 s31, $0x2;
	[sflag:s24] =	ssyncset.done $0x0  }
0x49: {  	s0 =	sadd.s32 $0x1380, s31;
	[sflag:s24] =	ssyncadd.s32 $0xFFFFC000  }
0x4a: {  	[tilespmem:s19], [sflag:$0x2] =	stream.indirect.gather [hbm4b:s1+s14], $0x80, s0, s14, $0xb8;
	[tilespmem:$0x1E800] =	vst v63  }
0x4b: {  	s0 =	sadd.s32 $0x2700, s31  }
0x4c: {  	[spmem:s2] =	stream.indirect.scatter.add.f32 [tilespmem:s15], [sflag:$0x3], $0x80, s0, s14, $0xb8;
	[tilespmem:$0x1E800] =	vst v63  }
0x4d: {  	_ =	swait.ge [sflag:s20], $0x4000  }
0x4e: {  	[sflag:s20] =	ssyncset.done $0x0  }
0x4f: {  	[sflag:s20] =	ssyncadd.s32 $0xFFFFC000  }
.Ltmp0:
0x50: {  	_ =	swait.ge [sflag:s21], $0x4000;
	(pc) =	sbr.rel @p0 .LBB2_2-.Ltmp0, $4  }
0x51: {  	[sflag:s21] =	ssyncset.done $0x0  }
0x52: {  	s0 =	sadd.s32 $0x1400, s31;
	[sflag:s21] =	ssyncadd.s32 $0xFFFFC000  }
0x53: {  	[tilespmem:s15], [sflag:$0x1] =	stream.indirect.gather [hbm4b:s1+s14], $0x80, s0, s14, $0xb8;
	[tilespmem:$0x1E800] =	vst v63  }
0x54: {  	s31 =	sadd.s32 $0x2780, s31  }
0x55: {  	[spmem:s2] =	stream.indirect.scatter.add.f32 [tilespmem:s19], [sflag:$0x4], $0x80, s31, s14, $0xb8;
	[tilespmem:$0x1E800] =	vst v63  }
0x56: {  	_ =	swait.ge [sflag:s18], $0x4000  }
0x57: {  	[sflag:s18] =	ssyncset.done $0x0  }
0x58: {  	[sflag:s18] =	ssyncadd.s32 $0xFFFFC000  }
0x59: {  	_ =	swait.ge [sflag:s24], $0x4000  }
0x5a: {  	[sflag:s24] =	ssyncset.done $0x0  }
0x5b: {  	[sflag:s24] =	ssyncadd.s32 $0xFFFFC000  }
0x5c: {  	[tilespmem:s19], [sflag:$0x2] =	stream.indirect.gather [hbm4b:s1+s14], $0x80, s25, s14, $0xb8;
	[tilespmem:$0x1E800] =	vst v63  }
0x5d: {  	_ = 	snop  }
0x5e: {  	[spmem:s2] =	stream.indirect.scatter.add.f32 [tilespmem:s15], [sflag:$0x3], $0x80, s26, s14, $0xb8;
	[tilespmem:$0x1E800] =	vst v63  }
0x5f: {  	_ =	swait.ge [sflag:s20], $0x4000  }
0x60: {  	[sflag:s20] =	ssyncset.done $0x0  }
0x61: {  	[sflag:s20] =	ssyncadd.s32 $0xFFFFC000  }
0x62: {  	_ =	swait.ge [sflag:s21], $0x4000  }
0x63: {  	[sflag:s21] =	ssyncset.done $0x0  }
0x64: {  	[sflag:s21] =	ssyncadd.s32 $0xFFFFC000  }
0x65: {  	[tilespmem:s15], [sflag:$0x1] =	stream.indirect.gather [hbm4b:s1+s14], $0x80, s25, s14, $0xb8;
	[tilespmem:$0x1E800] =	vst v63  }
0x66: {  	_ = 	snop  }
0x67: {  	[spmem:s2] =	stream.indirect.scatter.add.f32 [tilespmem:s19], [sflag:$0x4], $0x80, s28, s14, $0xb8;
	[tilespmem:$0x1E800] =	vst v63  }
0x68: {  	_ =	swait.ge [sflag:s24], $0x4000  }
0x69: {  	[sflag:s24] =	ssyncset.done $0x0  }
0x6a: {  	[sflag:s24] =	ssyncadd.s32 $0xFFFFC000  }
0x6b: {  	_ =	swait.ge [sflag:s18], $0x4000  }
0x6c: {  	[sflag:s18] =	ssyncset.done $0x0  }
0x6d: {  	[sflag:s18] =	ssyncadd.s32 $0xFFFFC000  }
0x6e: {  	[tilespmem:s3], [sflag:$0x5] =	stream.linear.gather [hbm4b:s8+s3], $0x1400, $0x38;
	[tilespmem:$0x1E800] =	vst v63  }
0x6f: {  	_ =	swait.ge [sflag:s12], $0x1400  }
0x70: {  	[sflag:s12] =	ssyncset.done $0x0  }
0x71: {  	[sflag:s12] =	ssyncadd.s32 $0xFFFFEC00  }
0x72: {  	[tilespmem:s13], [sflag:$0x5] =	stream.linear.gather [hbm4b:s9+s3], $0x1400, $0x38;
	[tilespmem:$0x1E800] =	vst v63  }
0x73: {  	_ =	swait.ge [sflag:s12], $0x1400  }
0x74: {  	[sflag:s12] =	ssyncset.done $0x0  }
0x75: {  	[sflag:s12] =	ssyncadd.s32 $0xFFFFEC00  }
0x76: {  	[tilespmem:s15], [sflag:$0x1] =	stream.indirect.gather [hbm4b:s1+s14], $0x80, s3, s14, $0xb8;
	[tilespmem:$0x1E800] =	vst v63  }
0x77: {  	_ =	swait.ge [sflag:s18], $0x4000  }
0x78: {  	[sflag:s18] =	ssyncset.done $0x0  }
0x79: {  	[sflag:s18] =	ssyncadd.s32 $0xFFFFC000  }
0x7a: {  	[tilespmem:s19], [sflag:$0x2] =	stream.indirect.gather [hbm4b:s1+s14], $0x80, s14, s14, $0xb8;
	[tilespmem:$0x1E800] =	vst v63  }
0x7b: {  	_ = 	snop  }
0x7c: {  	[spmem:s2] =	stream.indirect.scatter.add.f32 [tilespmem:s15], [sflag:$0x3], $0x80, s13, s14, $0xb8;
	[tilespmem:$0x1E800] =	vst v63  }
0x7d: {  	_ =	swait.ge [sflag:s20], $0x4000  }
0x7e: {  	[sflag:s20] =	ssyncset.done $0x0  }
0x7f: {  	[sflag:s20] =	ssyncadd.s32 $0xFFFFC000  }
0x80: {  	_ =	swait.ge [sflag:s21], $0x4000  }
0x81: {  	[sflag:s21] =	ssyncset.done $0x0  }
0x82: {  	[sflag:s21] =	ssyncadd.s32 $0xFFFFC000  }
0x83: {  	[tilespmem:s15], [sflag:$0x1] =	stream.indirect.gather [hbm4b:s1+s14], $0x80, s22, s14, $0xb8;
	[tilespmem:$0x1E800] =	vst v63  }
0x84: {  	_ = 	snop  }
0x85: {  	[spmem:s2] =	stream.indirect.scatter.add.f32 [tilespmem:s19], [sflag:$0x4], $0x80, s23, s14, $0xb8;
	[tilespmem:$0x1E800] =	vst v63  }
0x86: {  	_ =	swait.ge [sflag:s18], $0x4000  }
0x87: {  	[sflag:s18] =	ssyncset.done $0x0  }
0x88: {  	[sflag:s18] =	ssyncadd.s32 $0xFFFFC000  }
0x89: {  	_ =	swait.ge [sflag:s24], $0x4000  }
0x8a: {  	[sflag:s24] =	ssyncset.done $0x0  }
0x8b: {  	s0 =	simm.s32 $0x180;
	[sflag:s24] =	ssyncadd.s32 $0xFFFFC000  }
0x8c: {  	[tilespmem:s19], [sflag:$0x2] =	stream.indirect.gather [hbm4b:s1+s14], $0x80, s0, s14, $0xb8;
	[tilespmem:$0x1E800] =	vst v63  }
0x8d: {  	s0 =	simm.s32 $0x1500  }
0x8e: {  	[spmem:s2] =	stream.indirect.scatter.add.f32 [tilespmem:s15], [sflag:$0x3], $0x80, s0, s14, $0xb8;
	[tilespmem:$0x1E800] =	vst v63  }
0x8f: {  	_ =	swait.ge [sflag:s20], $0x4000  }
0x90: {  	[sflag:s20] =	ssyncset.done $0x0  }
0x91: {  	[sflag:s20] =	ssyncadd.s32 $0xFFFFC000  }
0x92: {  	_ =	swait.ge [sflag:s21], $0x4000  }
0x93: {  	s30 =	simm.s32 $0xFFFFBC00;
	[sflag:s21] =	ssyncset.done $0x0  }
0x94: {  	s31 =	simm.s32 $0x1580;
	s0 =	simm.s32 $0x200;
	[sflag:s21] =	ssyncadd.s32 $0xFFFFC000  }
0x95: {  	[tilespmem:s15], [sflag:$0x1] =	stream.indirect.gather [hbm4b:s1+s14], $0x80, s0, s14, $0xb8;
	[tilespmem:$0x1E800] =	vst v63  }
.LBB2_4:
0x96: {  	[spmem:s2] =	stream.indirect.scatter.add.f32 [tilespmem:s19], [sflag:$0x4], $0x80, s31, s14, $0xb8;
	[tilespmem:$0x1E800] =	vst v63  }
0x97: {  	s0 =	smov.u32 s30  }
0x98: {  	p0 =	sne.s32 s30, $0xFFFFFC00;
	s30 =	sadd.s32 $0x400, s30;
	_ =	swait.ge [sflag:s18], $0x4000  }
0x99: {  	[sflag:s18] =	ssyncset.done $0x0  }
0x9a: {  	[sflag:s18] =	ssyncadd.s32 $0xFFFFC000  }
0x9b: {  	_ =	swait.ge [sflag:s24], $0x4000  }
0x9c: {  	s0 =	sshra.s32 s0, $0x2;
	[sflag:s24] =	ssyncset.done $0x0  }
0x9d: {  	s31 =	sadd.s32 $0x1380, s0;
	[sflag:s24] =	ssyncadd.s32 $0xFFFFC000  }
0x9e: {  	[tilespmem:s19], [sflag:$0x2] =	stream.indirect.gather [hbm4b:s1+s14], $0x80, s31, s14, $0xb8;
	[tilespmem:$0x1E800] =	vst v63  }
0x9f: {  	s31 =	sadd.s32 $0x2700, s0  }
0xa0: {  	[spmem:s2] =	stream.indirect.scatter.add.f32 [tilespmem:s15], [sflag:$0x3], $0x80, s31, s14, $0xb8;
	[tilespmem:$0x1E800] =	vst v63  }
0xa1: {  	_ =	swait.ge [sflag:s20], $0x4000  }
0xa2: {  	[sflag:s20] =	ssyncset.done $0x0  }
0xa3: {  	[sflag:s20] =	ssyncadd.s32 $0xFFFFC000  }
.Ltmp1:
0xa4: {  	_ =	swait.ge [sflag:s21], $0x4000;
	(pc) =	sbr.rel @p0 .LBB2_4-.Ltmp1, $4  }
0xa5: {  	[sflag:s21] =	ssyncset.done $0x0  }
0xa6: {  	s31 =	sadd.s32 $0x1400, s0;
	[sflag:s21] =	ssyncadd.s32 $0xFFFFC000  }
0xa7: {  	[tilespmem:s15], [sflag:$0x1] =	stream.indirect.gather [hbm4b:s1+s14], $0x80, s31, s14, $0xb8;
	[tilespmem:$0x1E800] =	vst v63  }
0xa8: {  	s31 =	sadd.s32 $0x2780, s0  }
0xa9: {  	[spmem:s2] =	stream.indirect.scatter.add.f32 [tilespmem:s19], [sflag:$0x4], $0x80, s31, s14, $0xb8;
	[tilespmem:$0x1E800] =	vst v63  }
0xaa: {  	_ =	swait.ge [sflag:s18], $0x4000  }
0xab: {  	[sflag:s18] =	ssyncset.done $0x0  }
0xac: {  	[sflag:s18] =	ssyncadd.s32 $0xFFFFC000  }
0xad: {  	_ =	swait.ge [sflag:s24], $0x4000  }
0xae: {  	[sflag:s24] =	ssyncset.done $0x0  }
0xaf: {  	[sflag:s24] =	ssyncadd.s32 $0xFFFFC000  }
0xb0: {  	[tilespmem:s19], [sflag:$0x2] =	stream.indirect.gather [hbm4b:s1+s14], $0x80, s25, s14, $0xb8;
	[tilespmem:$0x1E800] =	vst v63  }
0xb1: {  	_ = 	snop  }
0xb2: {  	[spmem:s2] =	stream.indirect.scatter.add.f32 [tilespmem:s15], [sflag:$0x3], $0x80, s26, s14, $0xb8;
	[tilespmem:$0x1E800] =	vst v63  }
0xb3: {  	_ =	swait.ge [sflag:s20], $0x4000  }
0xb4: {  	[sflag:s20] =	ssyncset.done $0x0  }
0xb5: {  	[sflag:s20] =	ssyncadd.s32 $0xFFFFC000  }
0xb6: {  	_ =	swait.ge [sflag:s21], $0x4000  }
0xb7: {  	[sflag:s21] =	ssyncset.done $0x0  }
0xb8: {  	[sflag:s21] =	ssyncadd.s32 $0xFFFFC000  }
0xb9: {  	[tilespmem:s15], [sflag:$0x1] =	stream.indirect.gather [hbm4b:s1+s14], $0x80, s25, s14, $0xb8;
	[tilespmem:$0x1E800] =	vst v63  }
0xba: {  	_ = 	snop  }
0xbb: {  	[spmem:s2] =	stream.indirect.scatter.add.f32 [tilespmem:s19], [sflag:$0x4], $0x80, s28, s14, $0xb8;
	[tilespmem:$0x1E800] =	vst v63  }
0xbc: {  	_ =	swait.ge [sflag:s24], $0x4000  }
0xbd: {  	[sflag:s24] =	ssyncset.done $0x0  }
0xbe: {  	[sflag:s24] =	ssyncadd.s32 $0xFFFFC000  }
0xbf: {  	_ =	swait.ge [sflag:s18], $0x4000  }
0xc0: {  	s29 =	sadd.s32 $0x1, s29;
	[sflag:s18] =	ssyncset.done $0x0  }
0xc1: {  	p0 =	sne.s32 s29, s11;
	[sflag:s18] =	ssyncadd.s32 $0xFFFFC000  }
.Ltmp2:
0xc2: {  	[bflag:$0x0] =	sbarrier.arrive $0xFFFF;
	(pc) =	sbr.rel @p0 .LBB2_1-.Ltmp2, $4  }
0xc3: {  	[hbm:s10], [sflag:s16] =	dma.local [spmem:s17], $0x2800  }
0xc4: {  	_ =	swait.ge [sflag:s12], $0x2800  }
0xc5: {  	[sflag:s12] =	ssyncset.done $0x0  }
0xc6: {  	[sflag:s12] =	ssyncadd.s32 $0xFFFFD800  }
0xc7: {  	_ =	sfence.sel $0x180000  }
0xc8: {  	[bflag:$0x0] =	sbarrier.arrive $0xFFFF  }
0xc9: {  	_ =	strace $0x9000004A  }
0xca: {  	[bflag:$0x2] =	sbarrier.arrive $0xFFFF  }
0xcb: {  	p0 =	sne.s32 s4, $0x0;
	s0 =	rddreg [dreg:$0x3]  }
0xcc: {  	s0 =	sadd.s32 @!p0 $0x100000, s0  }
0xcd: {  	[sflag:s0] =	ssyncadd.tile.s32 @!p0 $0x1;
	_ =	shalt  }
.Lfunc_end2:
_tile_overlayer_lowered:
.L_overlay_start_2:
0xce: {  	(tag) =	ssettag $0x2  }
0xcf: {  	s0 =	rddreg [dreg:$0x0];
	s2 =	stileid.u32  }
0xd0: {  	s1 =	rddreg [dreg:$0x1];
	p0 =	sne.s32 s2, $0x0  }
0xd1: {  	s3 =	rddreg [dreg:$0x2];
	[bflag:$0x3] =	sbarrier.arrive $0xFFFF;
	s2 =	simm.s32 @!p0 $0x1C05  }
0xd2: {  	[timem:s3], [sflag:s2] =	dma.local @!p0 [hbm:s0], s1  }
0xd3: {  	s0 =	simm.s32 @!p0 $0x5  }
0xd4: {  	_ =	swait.ge @!p0 [sflag:s0], s1  }
0xd5: {  	s1 =	ssub.s32 @!p0 $0x0, s1;
	[sflag:s0] =	ssyncset.done @!p0 $0x0  }
0xd6: {  	[sflag:s0] =	ssyncadd.s32 @!p0 s1  }
0xd7: {  	[bflag:$0x3] =	sbarrier.arrive $0xFFFF  }
0xd8: {  	_ =	shalt  }

// kernel: kernel.7.cloned.1.call-start
scs
__scs_entry_jumppad:
0x0: {  	(pc) =	sbr.rel $0x88, $3  }
0x1: {  	(tag) =	ssettag $0x0;
	lr =	simm.s32 $0x1  }
0x2: {  	[smem:$0x3F9B] =	sst lr;
	_ =	strace $0xD0000000  }
0x3: {  	_ = 	snop  }
0x4: {  	_ = 	snop  }
0x5: {  	_ = 	snop  }
0x6: {  	_ = 	snop  }
0x7: {  	_ = 	snop  }
__scs_overlays_trampoline_lowered:
0x8: {  	[smem:$0x3FAA] =	sst s0  }
0x9: {  	[smem:$0x3FAB] =	sst s1  }
0xa: {  	[smem:$0x3FAC] =	sst s2  }
0xb: {  	[smem:$0x3FAD] =	sst s3  }
0xc: {  	[smem:$0x3FAE] =	sst s4  }
0xd: {  	[smem:$0x3FAF] =	sst s5  }
0xe: {  	[smem:$0x3FB0] =	sst s6  }
0xf: {  	[smem:$0x3FB1] =	sst s7  }
0x10: {  	[smem:$0x3FB2] =	sst s8  }
0x11: {  	[smem:$0x3FB3] =	sst s9;
	s0 =	simm.s32 @!p0 $0x0  }
0x12: {  	s1 =	sld [smem:$0x3F99];
	s0 =	simm.s32 @p0 $0x1  }
0x13: {  	[smem:$0x3FB4] =	sst s0;
	s0 =	simm.s32 @!p1 $0x0  }
0x14: {  	s2 =	sld [smem:$0x3F98];
	s0 =	simm.s32 @p1 $0x1  }
0x15: {  	[smem:$0x3FB5] =	sst s0;
	s0 =	simm.s32 @!p2 $0x0  }
0x16: {  	s3 =	sld [smem:$0x3FDB];
	s0 =	simm.s32 @p2 $0x1  }
0x17: {  	s4 =	simm.s32 $0x1BF5;
	[smem:$0x3FB7] =	sst s0  }
0x18: {  	s0 =	sld [smem:$0x3F9A];
	_ =	swait.ge [sflag:s4], $0x0  }
0x19: {  	s7 =	sld [smem:$0x3F9B]  }
0x1a: {  	s8 =	sadd.s32 $0xFFFFE003, lr  }
0x1b: {  	s9 =	sadd.s32 $0xFFFFFEF7, lr;
	s5 =	simm.s32 $0xFFFFFFFF;
	p2 =	slt.u32 s8, $0xFFFFF086  }
0x1c: {  	p1 =	slt.u32 s9, $0xF7A;
	s5 =	simm.s32 @!p2 $0x0  }
0x1d: {  	s5 =	simm.s32 @p1 $0x1;
	p0 =	seq.s32 s7, s2  }
0x1e: {  	s7 =	smul.u32 @!p0 $0xF7A, s2;
	p2 =	seq.s32 @!p0 s5, $0x0  }
0x1f: {  	s9 =	smul.u32 $0xF7A, s1;
	s8 =	simm.s32 @!p0 $0x1BF5;
	p2 =	por !p2, p0  }
0x20: {  	[sflag:s8] =	ssyncset.s32 @!p0 $0xFFFFF086;
	s6 =	sadd.s32 @!p0 s3, s7;
	s7 =	simm.s32 @!p0 $0x108  }
0x21: {  	s3 =	sadd.s32 s3, s9;
	s6 =	sadd.s32 @!p0 $0x88, s6;
	s7 =	simm.s32 @p2 $0x1082  }
0x22: {  	[simem:s7], [sflag:s8] =	dma.local @!p0 [hbm:s6], $0xF7A  }
0x23: {  	s9 =	sor.u32 $0xD0000000, s2;
	s6 =	simm.s32 $0x108;
	_ =	swait.ge @!p0 [sflag:s8], $0x0  }
0x24: {  	s3 =	sadd.s32 $0x88, s3;
	s6 =	simm.s32 @!p1 $0x1082;
	[sflag:s4] =	ssyncset.s32 $0xFFFFF086  }
0x25: {  	[simem:s6], [sflag:s4] =	dma.local [hbm:s3], $0xF7A  }
0x26: {  	[smem:$0x3F9B] =	sst s1;
	(tag) =	ssettag s2;
	_ =	strace s9  }
0x27: {  	s1 =	sld [smem:$0x3FAB]  }
0x28: {  	s2 =	sld [smem:$0x3FAC]  }
0x29: {  	s4 =	sld [smem:$0x3FAE]  }
0x2a: {  	p0 =	seq.s32 s5, $0x0;
	s5 =	sld [smem:$0x3FAF]  }
0x2b: {  	s6 =	sld [smem:$0x3FB0]  }
0x2c: {  	s7 =	sld [smem:$0x3FB1]  }
0x2d: {  	s3 =	simm.s32 $0x108;
	s8 =	sld [smem:$0x3FB2]  }
0x2e: {  	s3 =	simm.s32 @!p0 $0x1082;
	s9 =	sld [smem:$0x3FB3]  }
0x2f: {  	lr =	sadd.s32 s0, s3;
	s0 =	sld [smem:$0x3FAA]  }
0x30: {  	s3 =	sld [smem:$0x3FAD]  }
0x31: {  	[smem:$0x3FB6] =	sst s10  }
0x32: {  	s10 =	sld [smem:$0x3FB4];
	_ =	sdelay $0x3  }
0x33: {  	p0 =	seq.s32 s10, $0x1;
	s10 =	sld [smem:$0x3FB6];
	_ =	sdelay $0x3  }
0x34: {  	[smem:$0x3FB6] =	sst s10  }
0x35: {  	s10 =	sld [smem:$0x3FB5];
	_ =	sdelay $0x3  }
0x36: {  	p1 =	seq.s32 s10, $0x1;
	s10 =	sld [smem:$0x3FB6];
	_ =	sdelay $0x3  }
0x37: {  	[smem:$0x3FB6] =	sst s10  }
0x38: {  	s10 =	sld [smem:$0x3FB7]  }
0x39: {  	_ = 	snop;
	(pc) =	sbr.ind lr, $3  }
0x3a: {  	_ = 	snop  }
0x3b: {  	_ = 	snop  }
0x3c: {  	p2 =	seq.s32 s10, $0x1;
	s10 =	sld [smem:$0x3FB6]  }
0x3d: {  	_ =	shalt  }
0x3e: {  	_ =	shalt  }
0x3f: {  	_ =	shalt  }
0x40: {  	_ =	shalt  }
0x41: {  	_ =	shalt  }
0x42: {  	_ =	shalt  }
0x43: {  	_ =	shalt  }
0x44: {  	_ =	shalt  }
0x45: {  	_ =	shalt  }
0x46: {  	_ =	shalt  }
0x47: {  	_ =	shalt  }
0x48: {  	_ =	shalt  }
0x49: {  	_ =	shalt  }
0x4a: {  	_ =	shalt  }
0x4b: {  	_ =	shalt  }
0x4c: {  	_ =	shalt  }
0x4d: {  	_ =	shalt  }
0x4e: {  	_ =	shalt  }
0x4f: {  	_ =	shalt  }
0x50: {  	_ =	shalt  }
0x51: {  	_ =	shalt  }
0x52: {  	_ =	shalt  }
0x53: {  	_ =	shalt  }
0x54: {  	_ =	shalt  }
0x55: {  	_ =	shalt  }
0x56: {  	_ =	shalt  }
0x57: {  	_ =	shalt  }
0x58: {  	_ =	shalt  }
0x59: {  	_ =	shalt  }
0x5a: {  	_ =	shalt  }
0x5b: {  	_ =	shalt  }
0x5c: {  	_ =	shalt  }
0x5d: {  	_ =	shalt  }
0x5e: {  	_ =	shalt  }
0x5f: {  	_ =	shalt  }
0x60: {  	_ =	shalt  }
0x61: {  	_ =	shalt  }
0x62: {  	_ =	shalt  }
0x63: {  	_ =	shalt  }
0x64: {  	_ =	shalt  }
0x65: {  	_ =	shalt  }
0x66: {  	_ =	shalt  }
0x67: {  	_ =	shalt  }
0x68: {  	_ =	shalt  }
0x69: {  	_ =	shalt  }
0x6a: {  	_ =	shalt  }
0x6b: {  	_ =	shalt  }
0x6c: {  	_ =	shalt  }
0x6d: {  	_ =	shalt  }
0x6e: {  	_ =	shalt  }
0x6f: {  	_ =	shalt  }
0x70: {  	_ =	shalt  }
0x71: {  	_ =	shalt  }
0x72: {  	_ =	shalt  }
0x73: {  	_ =	shalt  }
0x74: {  	_ =	shalt  }
0x75: {  	_ =	shalt  }
0x76: {  	_ =	shalt  }
0x77: {  	_ =	shalt  }
0x78: {  	_ =	shalt  }
0x79: {  	_ =	shalt  }
0x7a: {  	_ =	shalt  }
0x7b: {  	_ =	shalt  }
0x7c: {  	_ =	shalt  }
0x7d: {  	_ =	shalt  }
0x7e: {  	_ =	shalt  }
0x7f: {  	_ =	shalt  }
0x80: {  	_ =	shalt  }
0x81: {  	_ =	shalt  }
0x82: {  	_ =	shalt  }
0x83: {  	_ =	shalt  }
0x84: {  	_ =	shalt  }
0x85: {  	_ =	shalt  }
0x86: {  	_ =	shalt  }
0x87: {  	_ =	shalt  }
.Lfunc_end0:
.L_simem_size_0:
called_computation_lowered:
.L_overlay_start_0:
0x88: {  	s2 =	sld [smem:$0x3FD9]  }
0x89: {  	s3 =	sld [smem:$0x3FFE];
	_ =	sdelay $0x1  }
0x8a: {  	s1 =	srdreg.scid  }
0x8b: {  	s0 =	sand.u32 $0x1, s1  }
0x8c: {  	s17 =	sshll.u32 s0, $0xA;
	s2 =	sadd.s32 s3, s2  }
0x8d: {  	s2 =	sadd.s32 s2, s17  }
0x8e: {  	[smem:$0x3FC2] =	sst s2  }
0x8f: {  	_ = 	snop  }
0x90: {  	s2 =	sld [smem:$0x3FD0];
	(tm) =	ssettm $0x1  }
0x91: {  	s18 =	sld [smem:$0x3FFB];
	_ =	sdelay $0x3  }
0x92: {  	_ =	strace s18  }
0x93: {  	s3 =	sld [smem:$0x3FFC];
	_ =	sdelay $0x3  }
0x94: {  	_ =	strace s3  }
0x95: {  	s3 =	sld [smem:$0x3FFD];
	_ =	sdelay $0x3  }
0x96: {  	_ =	strace s3  }
0x97: {  	_ =	strace $0x8FFFFFFF  }
0x98: {  	s19 =	sld [smem:$0x3FDB];
	_ =	sdelay $0x1  }
0x99: {  	s4 =	simm.s32 $_scs_section_size  }
0x9a: {  	s5 =	simm.s32 $_size__tile_overlayer_lowered;
	s6 =	simm.s32 $_tile_overlayer_lowered  }
0x9b: {  	s22 =	simm.s32 $0x1BFF;
	s21 =	sshll.u32 s6, $0x1;
	s3 =	sadd.s32 s4, s19  }
0x9c: {  	s7 =	simm.s32 $0x0;
	s20 =	sshll.u32 s5, $0x1;
	s5 =	sadd.s32 s21, s3  }
0x9d: {  	[timem:s7], [sflag:s22] =	dma.local [hbm:s5], s20  }
0x9e: {  	_ =	swait.ge [sflag:s22], s20  }
0x9f: {  	s4 =	ssub.s32 $0x0, s20;
	[sflag:s22] =	ssyncset.done $0x0  }
0xa0: {  	[sflag:s22] =	ssyncadd.s32 s4;
	_ =	sdelay $0x1  }
0xa1: {  	s23 =	simm.s32 $0x1B8B  }
0xa2: {  	_ =	swait.ge [sflag:s23], $0x1  }
0xa3: {  	[sflag:s23] =	ssyncset.done $0x0  }
0xa4: {  	s25 =	simm.s32 $0x1B8E;
	s24 =	sld [smem:$0x3FFE];
	[sflag:s23] =	ssyncadd.s32 $0xFFFFFFFF  }
0xa5: {  	s26 =	simm.s32 $execute0_lowered;
	[smem:$0x3FD2] =	sst s25  }
0xa6: {  	s5 =	sshll.u32 s26, $0x1;
	_ =	strace $0x80000046;
	[dreg:$0x1] =	wrdreg $0xFFFFFFFF  }
0xa7: {  	s28 =	simm.s32 $_size_execute0_lowered;
	s3 =	sadd.s32 s3, s5;
	[dreg:$0x0] =	wrdreg $0x0  }
0xa8: {  	s5 =	sshll.u32 s28, $0x1;
	[dreg:$0x2] =	wrdreg s3  }
0xa9: {  	[dreg:$0x3] =	wrdreg s5  }
0xaa: {  	[dreg:$0x4] =	wrdreg $0xC0  }
0xab: {  	_ =	task [dreg:s7], $0x5FFFF  }
0xac: {  	[dreg:$0x1] =	wrdreg $0xFFFFFFFF  }
0xad: {  	[dreg:$0x0] =	wrdreg $0x60  }
0xae: {  	[dreg:$0x2] =	wrdreg s24  }
0xaf: {  	[dreg:$0x3] =	wrdreg s2  }
0xb0: {  	[dreg:$0x4] =	wrdreg $0x2B000  }
0xb1: {  	[dreg:$0x5] =	wrdreg $0x9  }
0xb2: {  	_ =	task.clear_ibuf [dreg:s7], $0x6FFFF;
	_ =	strace $0x90000046  }
0xb3: {  	s29 =	simm.s32 $0x9;
	_ =	strace $0x80000048  }
0xb4: {  	_ =	swait.ge [sflag:s29], $0x1  }
0xb5: {  	[sflag:s29] =	ssyncadd.s32 $0xFFFFFFFF  }
0xb6: {  	_ =	strace $0x90000048  }
0xb7: {  	_ =	sfence  }
0xb8: {  	s30 =	sld [smem:$0x0];
	_ =	sdelay $0x2  }
0xb9: {  	s31 =	sshll.u32 s1, $0xD;
	s1 =	sshrl.u32 s1, $0x2  }
0xba: {  	s3 =	sand.u32 $0x4000, s31;
	s1 =	sadd.s32 s1, s30  }
0xbb: {  	s0 =	sor.u32 s3, s0;
	s1 =	sshll.u32 s1, $0x11  }
0xbc: {  	s0 =	sor.u32 s1, s0  }
0xbd: {  	s0 =	sadd.s32 $0x8F2B, s0  }
0xbe: {  	[sflag:s0] =	ssyncadd.remote.s32 $0x1  }
0xbf: {  	_ =	sfence.sel $0xFFFF  }
0xc0: {  	[dreg:$0x0] =	wrdreg $0xFFFFFFFF;
	(pc) =	sbr.abs _section_cstart, $3  }
0xc1: {  	[dreg:$0x1] =	wrdreg $0xFFFFFFFF  }
0xc2: {  	_ =	task.clear_ibuf [dreg:s7], $0x2FFFF;
	_ =	strace $0x9FFFFFFF  }
0xc3: {  	(tm) =	ssettm $0x7FFFFFFF  }
tec
execute0_lowered:
.L_overlay_start_1:
0x0: {  	(tag) =	ssettag $0x1  }
0x1: {  	s4 =	rddreg [dreg:$0x0]  }
0x2: {  	s6 =	rddreg [dreg:$0x1];
	s1 =	srdreg.scid  }
0x3: {  	s0 =	stileid.u32;
	s2 =	rddreg [dreg:$0x2]  }
0x4: {  	s3 =	simm.s32 $0x0;
	s11 =	simm.s32 $0x2800;
	s12 =	simm.s32 $0x1  }
0x5: {  	s15 =	simm.s32 $0x20;
	s16 =	simm.s32 $0x10;
	s17 =	simm.s32 $0x0  }
0x6: {  	s5 =	sand.u32 $0x1, s1;
	s1 =	rddreg [dreg:$0x3];
	s8 =	smul.u32 $0x500, s0  }
0x7: {  	s7 =	sshll.u32 s0, $0x1;
	[smem:$0x7FF] =	sst s3;
	s10 =	smul.u32 $0xA00, s0  }
0x8: {  	s13 =	sshll.u32 s0, $0x6;
	s7 =	sor.u32 s5, s7;
	_ =	strace $0x80000047  }
0x9: {  	s9 =	ssub.s32 $0x2, s5;
	s5 =	sshll.u32 s5, $0x7;
	s13 =	sor.u32 $0x1C02, s13  }
0xa: {  	s7 =	smul.u32 $0x500, s7;
	s28 =	sshrl.u32 s9, $0x1;
	s5 =	sor.u32 s5, s8  }
0xb: {  	s30 =	sshrl.u32 s10, $0x2;
	s8 =	simm.s32 $0x2880;
	s10 =	simm.s32 $0x80  }
0xc: {  	s29 =	ssub.s32 s9, s28;
	s31 =	sshrl.u32 s5, $0x3;
	s9 =	simm.s32 $0x2  }
0xd: {  	s7 =	sadd.s32 s7, s4;
	s4 =	sadd.s32 s30, s2;
	s6 =	sadd.s32 s6, s31  }
0xe: {  	v0 =	vimm.f32 $1.000000000e+00;
	v1 =	vimm.f32 $0.0e+00;
	s5 =	sadd.s32 $0xC000, s7;
	s7 =	smax.u32 s29, $0x1;
	s14 =	sshrl.u32 s4, $0x3  }
.LBB2_1:
0xf: {  	[tilespmem:$0x2800] =	vst v0  }
0x10: {  	[tilespmem:$0x2810] =	vst v0  }
0x11: {  	[tilespmem:$0x2820] =	vst v0  }
0x12: {  	[tilespmem:$0x2830] =	vst v0  }
0x13: {  	[tilespmem:$0x2840] =	vst v0  }
0x14: {  	[tilespmem:$0x2850] =	vst v0  }
0x15: {  	[tilespmem:$0x2860] =	vst v0  }
0x16: {  	[tilespmem:$0x2870] =	vst v0  }
0x17: {  	[tilespmem:$0x2880] =	vst v1  }
0x18: {  	[tilespmem:$0x2890] =	vst v1  }
0x19: {  	[tilespmem:$0x28A0] =	vst v1  }
0x1a: {  	[tilespmem:$0x28B0] =	vst v1  }
0x1b: {  	[tilespmem:$0x28C0] =	vst v1  }
0x1c: {  	[tilespmem:$0x28D0] =	vst v1  }
0x1d: {  	[tilespmem:$0x28E0] =	vst v1  }
0x1e: {  	[tilespmem:$0x28F0] =	vst v1  }
0x1f: {  	[tilespmem:$0x2900] =	vst v1  }
0x20: {  	[tilespmem:$0x2910] =	vst v1  }
0x21: {  	[tilespmem:$0x2920] =	vst v1  }
0x22: {  	[tilespmem:$0x2930] =	vst v1  }
0x23: {  	[tilespmem:$0x2940] =	vst v1  }
0x24: {  	[tilespmem:$0x2950] =	vst v1  }
0x25: {  	[tilespmem:$0x2960] =	vst v1  }
0x26: {  	[tilespmem:$0x2970] =	vst v1  }
0x27: {  	[tilespmem:$0x2980] =	vst v1  }
0x28: {  	[tilespmem:$0x2990] =	vst v1  }
0x29: {  	[tilespmem:$0x29A0] =	vst v1  }
0x2a: {  	[tilespmem:$0x29B0] =	vst v1  }
0x2b: {  	[tilespmem:$0x29C0] =	vst v1  }
0x2c: {  	[tilespmem:$0x29D0] =	vst v1  }
0x2d: {  	[tilespmem:$0x29E0] =	vst v1  }
0x2e: {  	[tilespmem:$0x29F0] =	vst v1  }
0x2f: {  	[tilespmem:$0x2A00] =	vst v1  }
0x30: {  	[tilespmem:$0x2A10] =	vst v1  }
0x31: {  	[tilespmem:$0x2A20] =	vst v1  }
0x32: {  	[tilespmem:$0x2A30] =	vst v1  }
0x33: {  	[tilespmem:$0x2A40] =	vst v1  }
0x34: {  	[tilespmem:$0x2A50] =	vst v1  }
0x35: {  	[tilespmem:$0x2A60] =	vst v1  }
0x36: {  	[tilespmem:$0x2A70] =	vst v1  }
0x37: {  	[tilespmem:$0x2A80] =	vst v1  }
0x38: {  	[tilespmem:$0x2A90] =	vst v1  }
0x39: {  	[tilespmem:$0x2AA0] =	vst v1  }
0x3a: {  	[tilespmem:$0x2AB0] =	vst v1  }
0x3b: {  	[tilespmem:$0x2AC0] =	vst v1  }
0x3c: {  	[tilespmem:$0x2AD0] =	vst v1  }
0x3d: {  	[tilespmem:$0x2AE0] =	vst v1  }
0x3e: {  	[tilespmem:$0x2AF0] =	vst v1  }
0x3f: {  	[spmem:s4] =	stream.linear.scatter [tilespmem:s8], [sflag:$0x2], $0x280, $0x38;
	[tilespmem:$0x2D80] =	vst v63  }
0x40: {  	_ =	swait.ge [sflag:s9], $0x280  }
0x41: {  	[sflag:s9] =	ssyncset.done $0x0  }
0x42: {  	[sflag:s9] =	ssyncadd.s32 $0xFFFFFD80  }
0x43: {  	[tilespmem:s3], [sflag:$0x2] =	stream.linear.gather [hbm4b:s5+s3], $0x2800, $0x38;
	[tilespmem:$0x2D80] =	vst v63  }
0x44: {  	_ =	swait.ge [sflag:s9], $0x2800  }
0x45: {  	[sflag:s9] =	ssyncset.done $0x0  }
0x46: {  	[sflag:s9] =	ssyncadd.s32 $0xFFFFD800  }
0x47: {  	s18 =	simm.s32 $0x0;
	[bflag:$0x0] =	sbarrier.arrive $0xFFFF  }
0x48: {  	[spmem:s2] =	stream.indirect.scatter.add.f32 [tilespmem:s11], [sflag:$0x1], $0x1, s18, s10, $0xb8;
	[tilespmem:$0x2D80] =	vst v63  }
0x49: {  	s24 =	simm.s32 $0x80  }
0x4a: {  	[spmem:s2] =	stream.indirect.scatter.add.f32 [tilespmem:s11], [sflag:$0x1], $0x1, s24, s10, $0xb8;
	[tilespmem:$0x2D80] =	vst v63  }
0x4b: {  	s25 =	simm.s32 $0x100  }
0x4c: {  	[spmem:s2] =	stream.indirect.scatter.add.f32 [tilespmem:s11], [sflag:$0x1], $0x1, s25, s10, $0xb8;
	[tilespmem:$0x2D80] =	vst v63  }
0x4d: {  	s26 =	simm.s32 $0x180  }
0x4e: {  	[spmem:s2] =	stream.indirect.scatter.add.f32 [tilespmem:s11], [sflag:$0x1], $0x1, s26, s10, $0xb8;
	[tilespmem:$0x2D80] =	vst v63  }
0x4f: {  	s28 =	simm.s32 $0x200  }
0x50: {  	[spmem:s2] =	stream.indirect.scatter.add.f32 [tilespmem:s11], [sflag:$0x1], $0x1, s28, s10, $0xb8;
	[tilespmem:$0x2D80] =	vst v63  }
0x51: {  	s29 =	simm.s32 $0x280  }
0x52: {  	[spmem:s2] =	stream.indirect.scatter.add.f32 [tilespmem:s11], [sflag:$0x1], $0x1, s29, s10, $0xb8;
	[tilespmem:$0x2D80] =	vst v63  }
0x53: {  	s30 =	simm.s32 $0x300  }
0x54: {  	[spmem:s2] =	stream.indirect.scatter.add.f32 [tilespmem:s11], [sflag:$0x1], $0x1, s30, s10, $0xb8;
	[tilespmem:$0x2D80] =	vst v63  }
0x55: {  	s31 =	simm.s32 $0x380  }
0x56: {  	[spmem:s2] =	stream.indirect.scatter.add.f32 [tilespmem:s11], [sflag:$0x1], $0x1, s31, s10, $0xb8;
	[tilespmem:$0x2D80] =	vst v63  }
0x57: {  	_ =	swait.ge [sflag:s12], $0x80  }
0x58: {  	[sflag:s12] =	ssyncset.done $0x0  }
0x59: {  	[sflag:s12] =	ssyncadd.s32 $0xFFFFFF80  }
0x5a: {  	_ =	swait.ge [sflag:s12], $0x80  }
0x5b: {  	[sflag:s12] =	ssyncset.done $0x0  }
0x5c: {  	[sflag:s12] =	ssyncadd.s32 $0xFFFFFF80  }
0x5d: {  	_ =	swait.ge [sflag:s12], $0x80  }
0x5e: {  	[sflag:s12] =	ssyncset.done $0x0  }
0x5f: {  	[sflag:s12] =	ssyncadd.s32 $0xFFFFFF80  }
0x60: {  	_ =	swait.ge [sflag:s12], $0x80  }
0x61: {  	[sflag:s12] =	ssyncset.done $0x0  }
0x62: {  	[sflag:s12] =	ssyncadd.s32 $0xFFFFFF80  }
0x63: {  	_ =	swait.ge [sflag:s12], $0x80  }
0x64: {  	[sflag:s12] =	ssyncset.done $0x0  }
0x65: {  	[sflag:s12] =	ssyncadd.s32 $0xFFFFFF80  }
0x66: {  	_ =	swait.ge [sflag:s12], $0x80  }
0x67: {  	[sflag:s12] =	ssyncset.done $0x0  }
0x68: {  	[sflag:s12] =	ssyncadd.s32 $0xFFFFFF80  }
0x69: {  	_ =	swait.ge [sflag:s12], $0x80  }
0x6a: {  	[sflag:s12] =	ssyncset.done $0x0  }
0x6b: {  	[sflag:s12] =	ssyncadd.s32 $0xFFFFFF80  }
0x6c: {  	_ =	swait.ge [sflag:s12], $0x80  }
0x6d: {  	s20 =	simm.s32 $0x2000;
	s18 =	simm.s32 $0x1000;
	[sflag:s12] =	ssyncset.done $0x0  }
.LBB2_2:
0x6e: {  	s21 =	sshra.s32 s18, $0x2  }
0x6f: {  	[sflag:s12] =	ssyncadd.s32 $0xFFFFFF80;
	s18 =	smov.u32 s20;
	s19 =	sadd.s32 $0x1000, s20  }
0x70: {  	[spmem:s2] =	stream.indirect.scatter.add.f32 [tilespmem:s11], [sflag:$0x1], $0x1, s21, s10, $0xb8;
	[tilespmem:$0x2D80] =	vst v63  }
0x71: {  	p0 =	sne.s32 s20, $0x9000;
	s20 =	sadd.s32 $0x80, s21  }
0x72: {  	[spmem:s2] =	stream.indirect.scatter.add.f32 [tilespmem:s11], [sflag:$0x1], $0x1, s20, s10, $0xb8;
	[tilespmem:$0x2D80] =	vst v63  }
0x73: {  	s20 =	sadd.s32 $0x100, s21  }
0x74: {  	[spmem:s2] =	stream.indirect.scatter.add.f32 [tilespmem:s11], [sflag:$0x1], $0x1, s20, s10, $0xb8;
	[tilespmem:$0x2D80] =	vst v63  }
0x75: {  	s20 =	sadd.s32 $0x180, s21  }
0x76: {  	[spmem:s2] =	stream.indirect.scatter.add.f32 [tilespmem:s11], [sflag:$0x1], $0x1, s20, s10, $0xb8;
	[tilespmem:$0x2D80] =	vst v63  }
0x77: {  	s20 =	sadd.s32 $0x200, s21  }
0x78: {  	[spmem:s2] =	stream.indirect.scatter.add.f32 [tilespmem:s11], [sflag:$0x1], $0x1, s20, s10, $0xb8;
	[tilespmem:$0x2D80] =	vst v63  }
0x79: {  	s20 =	sadd.s32 $0x280, s21  }
0x7a: {  	[spmem:s2] =	stream.indirect.scatter.add.f32 [tilespmem:s11], [sflag:$0x1], $0x1, s20, s10, $0xb8;
	[tilespmem:$0x2D80] =	vst v63  }
0x7b: {  	s20 =	sadd.s32 $0x300, s21  }
0x7c: {  	[spmem:s2] =	stream.indirect.scatter.add.f32 [tilespmem:s11], [sflag:$0x1], $0x1, s20, s10, $0xb8;
	[tilespmem:$0x2D80] =	vst v63  }
0x7d: {  	s20 =	sadd.s32 $0x380, s21  }
0x7e: {  	[spmem:s2] =	stream.indirect.scatter.add.f32 [tilespmem:s11], [sflag:$0x1], $0x1, s20, s10, $0xb8;
	[tilespmem:$0x2D80] =	vst v63  }
0x7f: {  	_ =	swait.ge [sflag:s12], $0x80  }
0x80: {  	[sflag:s12] =	ssyncset.done $0x0  }
0x81: {  	[sflag:s12] =	ssyncadd.s32 $0xFFFFFF80  }
0x82: {  	_ =	swait.ge [sflag:s12], $0x80  }
0x83: {  	[sflag:s12] =	ssyncset.done $0x0  }
0x84: {  	[sflag:s12] =	ssyncadd.s32 $0xFFFFFF80  }
0x85: {  	_ =	swait.ge [sflag:s12], $0x80  }
0x86: {  	[sflag:s12] =	ssyncset.done $0x0  }
0x87: {  	[sflag:s12] =	ssyncadd.s32 $0xFFFFFF80  }
0x88: {  	_ =	swait.ge [sflag:s12], $0x80  }
0x89: {  	[sflag:s12] =	ssyncset.done $0x0  }
0x8a: {  	[sflag:s12] =	ssyncadd.s32 $0xFFFFFF80  }
0x8b: {  	_ =	swait.ge [sflag:s12], $0x80  }
0x8c: {  	[sflag:s12] =	ssyncset.done $0x0  }
0x8d: {  	[sflag:s12] =	ssyncadd.s32 $0xFFFFFF80  }
0x8e: {  	_ =	swait.ge [sflag:s12], $0x80  }
0x8f: {  	[sflag:s12] =	ssyncset.done $0x0  }
0x90: {  	[sflag:s12] =	ssyncadd.s32 $0xFFFFFF80  }
.Ltmp0:
0x91: {  	_ =	swait.ge [sflag:s12], $0x80;
	(pc) =	sbr.rel @p0 .LBB2_2-.Ltmp0, $4  }
0x92: {  	[sflag:s12] =	ssyncset.done $0x0  }
0x93: {  	[sflag:s12] =	ssyncadd.s32 $0xFFFFFF80  }
0x94: {  	_ =	swait.ge [sflag:s12], $0x80  }
0x95: {  	s20 =	smov.u32 s19;
	[sflag:s12] =	ssyncset.done $0x0  }
0x96: {  	s18 =	sshra.s32 s18, $0x2;
	[sflag:s12] =	ssyncadd.s32 $0xFFFFFF80  }
0x97: {  	[spmem:s2] =	stream.indirect.scatter.add.f32 [tilespmem:s11], [sflag:$0x1], $0x1, s18, s10, $0xb8;
	[tilespmem:$0x2D80] =	vst v63  }
0x98: {  	s19 =	sadd.s32 $0x80, s18  }
0x99: {  	[spmem:s2] =	stream.indirect.scatter.add.f32 [tilespmem:s11], [sflag:$0x1], $0x1, s19, s10, $0xb8;
	[tilespmem:$0x2D80] =	vst v63  }
0x9a: {  	s26 =	sadd.s32 $0x100, s18  }
0x9b: {  	[spmem:s2] =	stream.indirect.scatter.add.f32 [tilespmem:s11], [sflag:$0x1], $0x1, s26, s10, $0xb8;
	[tilespmem:$0x2D80] =	vst v63  }
0x9c: {  	s28 =	sadd.s32 $0x180, s18  }
0x9d: {  	[spmem:s2] =	stream.indirect.scatter.add.f32 [tilespmem:s11], [sflag:$0x1], $0x1, s28, s10, $0xb8;
	[tilespmem:$0x2D80] =	vst v63  }
0x9e: {  	s29 =	sadd.s32 $0x200, s18  }
0x9f: {  	[spmem:s2] =	stream.indirect.scatter.add.f32 [tilespmem:s11], [sflag:$0x1], $0x1, s29, s10, $0xb8;
	[tilespmem:$0x2D80] =	vst v63  }
0xa0: {  	s30 =	sadd.s32 $0x280, s18  }
0xa1: {  	[spmem:s2] =	stream.indirect.scatter.add.f32 [tilespmem:s11], [sflag:$0x1], $0x1, s30, s10, $0xb8;
	[tilespmem:$0x2D80] =	vst v63  }
0xa2: {  	s31 =	sadd.s32 $0x300, s18  }
0xa3: {  	[spmem:s2] =	stream.indirect.scatter.add.f32 [tilespmem:s11], [sflag:$0x1], $0x1, s31, s10, $0xb8;
	[tilespmem:$0x2D80] =	vst v63  }
0xa4: {  	s18 =	sadd.s32 $0x380, s18  }
0xa5: {  	[spmem:s2] =	stream.indirect.scatter.add.f32 [tilespmem:s11], [sflag:$0x1], $0x1, s18, s10, $0xb8;
	[tilespmem:$0x2D80] =	vst v63  }
0xa6: {  	_ =	swait.ge [sflag:s12], $0x80  }
0xa7: {  	[sflag:s12] =	ssyncset.done $0x0  }
0xa8: {  	[sflag:s12] =	ssyncadd.s32 $0xFFFFFF80  }
0xa9: {  	_ =	swait.ge [sflag:s12], $0x80  }
0xaa: {  	[sflag:s12] =	ssyncset.done $0x0  }
0xab: {  	[sflag:s12] =	ssyncadd.s32 $0xFFFFFF80  }
0xac: {  	_ =	swait.ge [sflag:s12], $0x80  }
0xad: {  	[sflag:s12] =	ssyncset.done $0x0  }
0xae: {  	[sflag:s12] =	ssyncadd.s32 $0xFFFFFF80  }
0xaf: {  	_ =	swait.ge [sflag:s12], $0x80  }
0xb0: {  	[sflag:s12] =	ssyncset.done $0x0  }
0xb1: {  	[sflag:s12] =	ssyncadd.s32 $0xFFFFFF80  }
0xb2: {  	_ =	swait.ge [sflag:s12], $0x80  }
0xb3: {  	[sflag:s12] =	ssyncset.done $0x0  }
0xb4: {  	[sflag:s12] =	ssyncadd.s32 $0xFFFFFF80  }
0xb5: {  	_ =	swait.ge [sflag:s12], $0x80  }
0xb6: {  	[sflag:s12] =	ssyncset.done $0x0  }
0xb7: {  	[sflag:s12] =	ssyncadd.s32 $0xFFFFFF80  }
0xb8: {  	_ =	swait.ge [sflag:s12], $0x80  }
0xb9: {  	[sflag:s12] =	ssyncset.done $0x0  }
0xba: {  	[sflag:s12] =	ssyncadd.s32 $0xFFFFFF80  }
0xbb: {  	_ =	swait.ge [sflag:s12], $0x80  }
0xbc: {  	s17 =	sadd.s32 $0x1, s17;
	[sflag:s12] =	ssyncset.done $0x0  }
0xbd: {  	p0 =	sne.s32 s17, s7;
	[sflag:s12] =	ssyncadd.s32 $0xFFFFFF80  }
.Ltmp1:
0xbe: {  	[bflag:$0x0] =	sbarrier.arrive $0xFFFF;
	(pc) =	sbr.rel @p0 .LBB2_1-.Ltmp1, $4  }
0xbf: {  	[hbm:s6@s15], [sflag:s13] =	dma.strided [spmem:s14@s16], $0x50, s12, $0x10   }
0xc0: {  	_ =	swait.ge [sflag:s9], $0x50  }
0xc1: {  	[sflag:s9] =	ssyncset.done $0x0  }
0xc2: {  	[sflag:s9] =	ssyncadd.s32 $0xFFFFFFB0  }
0xc3: {  	_ =	sfence.sel $0x180000  }
0xc4: {  	[bflag:$0x0] =	sbarrier.arrive $0xFFFF  }
0xc5: {  	p0 =	sne.s32 s0, $0x0;
	_ =	strace $0x90000047  }
0xc6: {  	s0 =	sadd.s32 @!p0 $0x100000, s1;
	[bflag:$0x2] =	sbarrier.arrive $0xFFFF  }
0xc7: {  	[sflag:s0] =	ssyncadd.tile.s32 @!p0 $0x1;
	_ =	shalt  }
.Lfunc_end2:
_tile_overlayer_lowered:
.L_overlay_start_2:
0xc8: {  	(tag) =	ssettag $0x2  }
0xc9: {  	s0 =	rddreg [dreg:$0x0];
	s2 =	stileid.u32  }
0xca: {  	s1 =	rddreg [dreg:$0x1];
	p0 =	sne.s32 s2, $0x0  }
0xcb: {  	s3 =	rddreg [dreg:$0x2];
	[bflag:$0x3] =	sbarrier.arrive $0xFFFF;
	s2 =	simm.s32 @!p0 $0x1C02  }
0xcc: {  	[timem:s3], [sflag:s2] =	dma.local @!p0 [hbm:s0], s1  }
0xcd: {  	s0 =	simm.s32 @!p0 $0x2  }
0xce: {  	_ =	swait.ge @!p0 [sflag:s0], s1  }
0xcf: {  	s1 =	ssub.s32 @!p0 $0x0, s1;
	[sflag:s0] =	ssyncset.done @!p0 $0x0  }
0xd0: {  	[sflag:s0] =	ssyncadd.s32 @!p0 s1  }
0xd1: {  	[bflag:$0x3] =	sbarrier.arrive $0xFFFF  }
0xd2: {  	_ =	shalt  }

</sc_bundles>
